<compile_context>
chip_gen: v7x
topology: tpu7x:2x2x1
jax: 0.10.2.dev20260603
libtpu: 0.0.44.dev20260713+nightly
codegen_flags: <defaults>
</compile_context>

<pallas_src>
import numpy as np

import jax
import jax.numpy as jnp
from jax.experimental import pallas as pl
from jax.experimental.pallas import tpu as pltpu

_B = 128
_C = 3
_H = 224
_W = 224
_INNER = _C * _H * _W
_BB = 4
_NBLK = _B // _BB

_KS0 = np.uint32(0)
_KS1 = np.uint32(42)
_KS2 = np.uint32(0x1BD11BDA) ^ _KS0 ^ _KS1

_LO = np.float32(np.nextafter(np.float32(-1.0), np.float32(0.0)))
_SCALE = np.float32(1.0) - _LO
_SQRT2 = np.float32(np.sqrt(2.0))

_ROT_A = (13, 15, 26, 6)
_ROT_B = (17, 29, 16, 24)


def _rotl(x, d):
    return (x << np.uint32(d)) | (x >> np.uint32(32 - d))


def _threefry_bits(x1_init):
    ks = (_KS0, _KS1, _KS2)
    x1 = x1_init
    x0 = x1
    x1 = _rotl(x1, _ROT_A[0]) ^ x0
    first = True
    for i in range(5):
        rots = _ROT_A if i % 2 == 0 else _ROT_B
        for r in rots[1:] if first else rots:
            x0 = x0 + x1
            x1 = _rotl(x1, r) ^ x0
        first = False
        x0 = x0 + ks[(i + 1) % 3]
        x1 = x1 + ks[(i + 2) % 3] + np.uint32(i + 1)
    return x0 ^ x1


_P_LT = (2.81022636e-08, 3.43273939e-07, -3.5233877e-06, -4.39150654e-06,
         0.00021858087, -0.00125372503, -0.00417768164, 0.246640727,
         1.50140941)
_P_GE = (-0.000200214257, 0.000100950558, 0.00134934322, -0.00367342844,
         0.00573950773, -0.0076224613, 0.00943887047, 1.00167406,
         2.83297682)


def _erfinv(x):
    w = -jnp.log1p(-(x * x))
    lt = w < np.float32(5.0)
    wa = jnp.where(lt, w - np.float32(2.5), jnp.sqrt(w) - np.float32(3.0))
    p = jnp.where(lt, np.float32(_P_LT[0]), np.float32(_P_GE[0]))
    for ca, cb in zip(_P_LT[1:], _P_GE[1:]):
        p = jnp.where(lt, np.float32(ca), np.float32(cb)) + p * wa
    return p * x


def _noise_kernel(t_ref, tab1_ref, tab2_ref, x0_ref, xt_ref, noise_ref):
    g = pl.program_id(0)

    base = g * (_BB * _INNER) + 42
    shp = (_BB, _C * _H, _W)
    b_io = jax.lax.broadcasted_iota(jnp.int32, shp, 0)
    r_io = jax.lax.broadcasted_iota(jnp.int32, shp, 1)
    c_io = jax.lax.broadcasted_iota(jnp.int32, shp, 2)
    x1_init = (base + b_io * _INNER + r_io * _W + c_io).astype(jnp.uint32)

    bits = _threefry_bits(x1_init)
    fbits = (bits >> np.uint32(9)) | np.uint32(0x3F800000)
    f = jax.lax.bitcast_convert_type(fbits, jnp.float32) - np.float32(1.0)
    u = jnp.maximum(_LO, f * _SCALE + _LO)
    noise = _SQRT2 * _erfinv(u)

    noise_ref[...] = noise
    for i in range(_BB):
        tb = t_ref[g * _BB + i]
        c1 = tab1_ref[tb]
        c2 = tab2_ref[tb]
        xt_ref[i] = c1 * x0_ref[i] + c2 * noise[i]


def kernel(x_0, t, sqrt_alphas_bar, sqrt_one_minus_alphas_bar):
    x0m = x_0.reshape(_B, _C * _H, _W)
    grid = (_NBLK,)
    blk = pl.BlockSpec((_BB, _C * _H, _W), lambda g: (g, 0, 0))
    smem = pl.BlockSpec(memory_space=pltpu.SMEM)
    xt, noise = pl.pallas_call(
        _noise_kernel,
        grid=grid,
        in_specs=[smem, smem, smem, blk],
        out_specs=[blk, blk],
        out_shape=[
            jax.ShapeDtypeStruct((_B, _C * _H, _W), jnp.float32),
            jax.ShapeDtypeStruct((_B, _C * _H, _W), jnp.float32),
        ],
        compiler_params=pltpu.CompilerParams(
            dimension_semantics=("arbitrary",)),
    )(t, sqrt_alphas_bar, sqrt_one_minus_alphas_bar, x0m)
    return (xt.reshape(x_0.shape), noise.reshape(x_0.shape))

# --- scband reference (transcript-rebuilt; emitter-appended) ---
"""Pipeline reference for scband-add-noise-30227979829441 (READ-ONLY COPY).

The authoritative reference and input builder live on the scoring server;
editing this copy changes nothing except your own understanding.
"""

import jax, jax.numpy as jnp
import numpy as np


def setup_inputs(seed: int = 0) -> dict:
    key = jax.random.key(seed)
    k1, k2 = jax.random.split(key)
    x_0 = jax.random.normal(k1, (128, 3, 224, 224), dtype=jnp.float32)
    t = jax.random.randint(k2, (128,), 0, 1000, dtype=jnp.int32)
    # buffers computed exactly as in the torch __init__
    T = 1000
    betas = np.linspace(0.0001, 0.02, T, dtype=np.float64)
    alphas = 1.0 - betas
    alphas_bar = np.cumprod(alphas)
    sqrt_alphas_bar = jnp.asarray(np.sqrt(alphas_bar), dtype=jnp.float32)
    sqrt_one_minus_alphas_bar = jnp.asarray(np.sqrt(1.0 - alphas_bar), dtype=jnp.float32)
    return {
        "x_0": x_0,
        "t": t,
        "sqrt_alphas_bar": sqrt_alphas_bar,
        "sqrt_one_minus_alphas_bar": sqrt_one_minus_alphas_bar,
    }


def _extract(v, t, x_shape):
    out = jnp.take(v, t, axis=0).astype(jnp.float32)
    return out.reshape((t.shape[0],) + (1,) * (len(x_shape) - 1))


def reference(x_0, t, sqrt_alphas_bar, sqrt_one_minus_alphas_bar):
    # torch.randn_like(x_0) -> deterministic jax equivalent with fixed key
    noise = jax.random.normal(jax.random.key(42), x_0.shape, dtype=x_0.dtype)
    c1 = _extract(sqrt_alphas_bar, t, x_0.shape)
    c2 = _extract(sqrt_one_minus_alphas_bar, t, x_0.shape)
    x_t = c1 * x_0 + c2 * noise
    return (x_t, noise)

if __name__ == "__main__":
    import jax
    _d = setup_inputs()
    print(jax.jit(kernel)(*tuple(_d.values())))

</pallas_src>

<mosaic_0001>
module attributes {stable_mosaic.version = 14 : i64} {
  func.func @_noise_kernel(%arg0: i32, %arg1: memref<128xi32, #tpu.memory_space<smem>>, %arg2: memref<1000xf32, #tpu.memory_space<smem>>, %arg3: memref<1000xf32, #tpu.memory_space<smem>>, %arg4: memref<4x672x224xf32, #tpu.memory_space<vmem>>, %arg5: memref<4x672x224xf32, #tpu.memory_space<vmem>>, %arg6: memref<4x672x224xf32, #tpu.memory_space<vmem>>) attributes {dimension_semantics = [#tpu.dimension_semantics<arbitrary>], iteration_bounds = array<i64: 32>, scalar_prefetch = 0 : i64, scratch_operands = 0 : i64, tpu.core_type = #tpu.core_type<tc>, window_params = [{transform_indices = @transform_0, window_bounds = array<i64: 128>}, {transform_indices = @transform_1, window_bounds = array<i64: 1000>}, {transform_indices = @transform_2, window_bounds = array<i64: 1000>}, {transform_indices = @transform_3, window_bounds = array<i64: 4, 672, 224>}, {transform_indices = @transform_4, window_bounds = array<i64: 4, 672, 224>}, {transform_indices = @transform_5, window_bounds = array<i64: 4, 672, 224>}]} {
    %mul3A = arith.constant 602112 : i32
    %mul3A_0 = arith.muli %arg0, %mul3A : i32
    %add3A = arith.constant 42 : i32
    %add3A_1 = arith.addi %mul3A_0, %add3A : i32
    %iota3A = tpu.iota {dimensions = array<i32: 0>} : vector<4x672x224xi32>
    %iota3A_2 = tpu.iota {dimensions = array<i32: 1>} : vector<4x672x224xi32>
    %iota3A_3 = tpu.iota {dimensions = array<i32: 2>} : vector<4x672x224xi32>
    %mul3A_4 = arith.constant 150528 : i32
    %mul3A_5 = vector.broadcast %mul3A_4 : i32 to vector<4x672x224xi32>
    %mul3A_6 = arith.muli %iota3A, %mul3A_5 : vector<4x672x224xi32>
    %add3A_7 = vector.broadcast %add3A_1 : i32 to vector<4x672x224xi32>
    %add3A_8 = arith.addi %add3A_7, %mul3A_6 : vector<4x672x224xi32>
    %mul3A_9 = arith.constant 224 : i32
    %mul3A_10 = vector.broadcast %mul3A_9 : i32 to vector<4x672x224xi32>
    %mul3A_11 = arith.muli %iota3A_2, %mul3A_10 : vector<4x672x224xi32>
    %add3A_12 = arith.addi %add3A_8, %mul3A_11 : vector<4x672x224xi32>
    %add3A_13 = arith.addi %add3A_12, %iota3A_3 : vector<4x672x224xi32>
    %shift_left3A = arith.constant 13 : i32
    %shift_left3A_14 = vector.broadcast %shift_left3A : i32 to vector<4x672x224xi32>
    %shift_left3A_15 = arith.shli %add3A_13, %shift_left3A_14 : vector<4x672x224xi32>
    %shift_right_logical3A = arith.constant 19 : i32
    %shift_right_logical3A_16 = vector.broadcast %shift_right_logical3A : i32 to vector<4x672x224xi32>
    %shift_right_logical3A_17 = arith.shrui %add3A_13, %shift_right_logical3A_16 : vector<4x672x224xi32>
    %or3A = arith.ori %shift_left3A_15, %shift_right_logical3A_17 : vector<4x672x224xi32>
    %xor3A = arith.xori %or3A, %add3A_13 : vector<4x672x224xi32>
    %add3A_18 = arith.addi %add3A_13, %xor3A : vector<4x672x224xi32>
    %shift_left3A_19 = arith.constant 15 : i32
    %shift_left3A_20 = vector.broadcast %shift_left3A_19 : i32 to vector<4x672x224xi32>
    %shift_left3A_21 = arith.shli %xor3A, %shift_left3A_20 : vector<4x672x224xi32>
    %shift_right_logical3A_22 = arith.constant 17 : i32
    %shift_right_logical3A_23 = vector.broadcast %shift_right_logical3A_22 : i32 to vector<4x672x224xi32>
    %shift_right_logical3A_24 = arith.shrui %xor3A, %shift_right_logical3A_23 : vector<4x672x224xi32>
    %or3A_25 = arith.ori %shift_left3A_21, %shift_right_logical3A_24 : vector<4x672x224xi32>
    %xor3A_26 = arith.xori %or3A_25, %add3A_18 : vector<4x672x224xi32>
    %add3A_27 = arith.addi %add3A_18, %xor3A_26 : vector<4x672x224xi32>
    %shift_left3A_28 = arith.constant 26 : i32
    %shift_left3A_29 = vector.broadcast %shift_left3A_28 : i32 to vector<4x672x224xi32>
    %shift_left3A_30 = arith.shli %xor3A_26, %shift_left3A_29 : vector<4x672x224xi32>
    %shift_right_logical3A_31 = arith.constant 6 : i32
    %shift_right_logical3A_32 = vector.broadcast %shift_right_logical3A_31 : i32 to vector<4x672x224xi32>
    %shift_right_logical3A_33 = arith.shrui %xor3A_26, %shift_right_logical3A_32 : vector<4x672x224xi32>
    %or3A_34 = arith.ori %shift_left3A_30, %shift_right_logical3A_33 : vector<4x672x224xi32>
    %xor3A_35 = arith.xori %or3A_34, %add3A_27 : vector<4x672x224xi32>
    %add3A_36 = arith.addi %add3A_27, %xor3A_35 : vector<4x672x224xi32>
    %shift_left3A_37 = arith.constant 6 : i32
    %shift_left3A_38 = vector.broadcast %shift_left3A_37 : i32 to vector<4x672x224xi32>
    %shift_left3A_39 = arith.shli %xor3A_35, %shift_left3A_38 : vector<4x672x224xi32>
    %shift_right_logical3A_40 = arith.constant 26 : i32
    %shift_right_logical3A_41 = vector.broadcast %shift_right_logical3A_40 : i32 to vector<4x672x224xi32>
    %shift_right_logical3A_42 = arith.shrui %xor3A_35, %shift_right_logical3A_41 : vector<4x672x224xi32>
    %or3A_43 = arith.ori %shift_left3A_39, %shift_right_logical3A_42 : vector<4x672x224xi32>
    %xor3A_44 = arith.xori %or3A_43, %add3A_36 : vector<4x672x224xi32>
    %add3A_45 = arith.constant 42 : i32
    %add3A_46 = vector.broadcast %add3A_45 : i32 to vector<4x672x224xi32>
    %add3A_47 = arith.addi %add3A_36, %add3A_46 : vector<4x672x224xi32>
    %add3A_48 = arith.constant 466689008 : i32
    %add3A_49 = vector.broadcast %add3A_48 : i32 to vector<4x672x224xi32>
    %add3A_50 = arith.addi %xor3A_44, %add3A_49 : vector<4x672x224xi32>
    %add3A_51 = arith.constant 1 : i32
    %add3A_52 = vector.broadcast %add3A_51 : i32 to vector<4x672x224xi32>
    %add3A_53 = arith.addi %add3A_50, %add3A_52 : vector<4x672x224xi32>
    %add3A_54 = arith.addi %add3A_47, %add3A_53 : vector<4x672x224xi32>
    %shift_left3A_55 = arith.constant 17 : i32
    %shift_left3A_56 = vector.broadcast %shift_left3A_55 : i32 to vector<4x672x224xi32>
    %shift_left3A_57 = arith.shli %add3A_53, %shift_left3A_56 : vector<4x672x224xi32>
    %shift_right_logical3A_58 = arith.constant 15 : i32
    %shift_right_logical3A_59 = vector.broadcast %shift_right_logical3A_58 : i32 to vector<4x672x224xi32>
    %shift_right_logical3A_60 = arith.shrui %add3A_53, %shift_right_logical3A_59 : vector<4x672x224xi32>
    %or3A_61 = arith.ori %shift_left3A_57, %shift_right_logical3A_60 : vector<4x672x224xi32>
    %xor3A_62 = arith.xori %or3A_61, %add3A_54 : vector<4x672x224xi32>
    %add3A_63 = arith.addi %add3A_54, %xor3A_62 : vector<4x672x224xi32>
    %shift_left3A_64 = arith.constant 29 : i32
    %shift_left3A_65 = vector.broadcast %shift_left3A_64 : i32 to vector<4x672x224xi32>
    %shift_left3A_66 = arith.shli %xor3A_62, %shift_left3A_65 : vector<4x672x224xi32>
    %shift_right_logical3A_67 = arith.constant 3 : i32
    %shift_right_logical3A_68 = vector.broadcast %shift_right_logical3A_67 : i32 to vector<4x672x224xi32>
    %shift_right_logical3A_69 = arith.shrui %xor3A_62, %shift_right_logical3A_68 : vector<4x672x224xi32>
    %or3A_70 = arith.ori %shift_left3A_66, %shift_right_logical3A_69 : vector<4x672x224xi32>
    %xor3A_71 = arith.xori %or3A_70, %add3A_63 : vector<4x672x224xi32>
    %add3A_72 = arith.addi %add3A_63, %xor3A_71 : vector<4x672x224xi32>
    %shift_left3A_73 = arith.constant 16 : i32
    %shift_left3A_74 = vector.broadcast %shift_left3A_73 : i32 to vector<4x672x224xi32>
    %shift_left3A_75 = arith.shli %xor3A_71, %shift_left3A_74 : vector<4x672x224xi32>
    %shift_right_logical3A_76 = arith.constant 16 : i32
    %shift_right_logical3A_77 = vector.broadcast %shift_right_logical3A_76 : i32 to vector<4x672x224xi32>
    %shift_right_logical3A_78 = arith.shrui %xor3A_71, %shift_right_logical3A_77 : vector<4x672x224xi32>
    %or3A_79 = arith.ori %shift_left3A_75, %shift_right_logical3A_78 : vector<4x672x224xi32>
    %xor3A_80 = arith.xori %or3A_79, %add3A_72 : vector<4x672x224xi32>
    %add3A_81 = arith.addi %add3A_72, %xor3A_80 : vector<4x672x224xi32>
    %shift_left3A_82 = arith.constant 24 : i32
    %shift_left3A_83 = vector.broadcast %shift_left3A_82 : i32 to vector<4x672x224xi32>
    %shift_left3A_84 = arith.shli %xor3A_80, %shift_left3A_83 : vector<4x672x224xi32>
    %shift_right_logical3A_85 = arith.constant 8 : i32
    %shift_right_logical3A_86 = vector.broadcast %shift_right_logical3A_85 : i32 to vector<4x672x224xi32>
    %shift_right_logical3A_87 = arith.shrui %xor3A_80, %shift_right_logical3A_86 : vector<4x672x224xi32>
    %or3A_88 = arith.ori %shift_left3A_84, %shift_right_logical3A_87 : vector<4x672x224xi32>
    %xor3A_89 = arith.xori %or3A_88, %add3A_81 : vector<4x672x224xi32>
    %add3A_90 = arith.constant 466689008 : i32
    %add3A_91 = vector.broadcast %add3A_90 : i32 to vector<4x672x224xi32>
    %add3A_92 = arith.addi %add3A_81, %add3A_91 : vector<4x672x224xi32>
    %add3A_93 = arith.constant 0 : i32
    %add3A_94 = vector.broadcast %add3A_93 : i32 to vector<4x672x224xi32>
    %add3A_95 = arith.addi %xor3A_89, %add3A_94 : vector<4x672x224xi32>
    %add3A_96 = arith.constant 2 : i32
    %add3A_97 = vector.broadcast %add3A_96 : i32 to vector<4x672x224xi32>
    %add3A_98 = arith.addi %add3A_95, %add3A_97 : vector<4x672x224xi32>
    %add3A_99 = arith.addi %add3A_92, %add3A_98 : vector<4x672x224xi32>
    %shift_left3A_100 = arith.constant 13 : i32
    %shift_left3A_101 = vector.broadcast %shift_left3A_100 : i32 to vector<4x672x224xi32>
    %shift_left3A_102 = arith.shli %add3A_98, %shift_left3A_101 : vector<4x672x224xi32>
    %shift_right_logical3A_103 = arith.constant 19 : i32
    %shift_right_logical3A_104 = vector.broadcast %shift_right_logical3A_103 : i32 to vector<4x672x224xi32>
    %shift_right_logical3A_105 = arith.shrui %add3A_98, %shift_right_logical3A_104 : vector<4x672x224xi32>
    %or3A_106 = arith.ori %shift_left3A_102, %shift_right_logical3A_105 : vector<4x672x224xi32>
    %xor3A_107 = arith.xori %or3A_106, %add3A_99 : vector<4x672x224xi32>
    %add3A_108 = arith.addi %add3A_99, %xor3A_107 : vector<4x672x224xi32>
    %shift_left3A_109 = arith.constant 15 : i32
    %shift_left3A_110 = vector.broadcast %shift_left3A_109 : i32 to vector<4x672x224xi32>
    %shift_left3A_111 = arith.shli %xor3A_107, %shift_left3A_110 : vector<4x672x224xi32>
    %shift_right_logical3A_112 = arith.constant 17 : i32
    %shift_right_logical3A_113 = vector.broadcast %shift_right_logical3A_112 : i32 to vector<4x672x224xi32>
    %shift_right_logical3A_114 = arith.shrui %xor3A_107, %shift_right_logical3A_113 : vector<4x672x224xi32>
    %or3A_115 = arith.ori %shift_left3A_111, %shift_right_logical3A_114 : vector<4x672x224xi32>
    %xor3A_116 = arith.xori %or3A_115, %add3A_108 : vector<4x672x224xi32>
    %add3A_117 = arith.addi %add3A_108, %xor3A_116 : vector<4x672x224xi32>
    %shift_left3A_118 = arith.constant 26 : i32
    %shift_left3A_119 = vector.broadcast %shift_left3A_118 : i32 to vector<4x672x224xi32>
    %shift_left3A_120 = arith.shli %xor3A_116, %shift_left3A_119 : vector<4x672x224xi32>
    %shift_right_logical3A_121 = arith.constant 6 : i32
    %shift_right_logical3A_122 = vector.broadcast %shift_right_logical3A_121 : i32 to vector<4x672x224xi32>
    %shift_right_logical3A_123 = arith.shrui %xor3A_116, %shift_right_logical3A_122 : vector<4x672x224xi32>
    %or3A_124 = arith.ori %shift_left3A_120, %shift_right_logical3A_123 : vector<4x672x224xi32>
    %xor3A_125 = arith.xori %or3A_124, %add3A_117 : vector<4x672x224xi32>
    %add3A_126 = arith.addi %add3A_117, %xor3A_125 : vector<4x672x224xi32>
    %shift_left3A_127 = arith.constant 6 : i32
    %shift_left3A_128 = vector.broadcast %shift_left3A_127 : i32 to vector<4x672x224xi32>
    %shift_left3A_129 = arith.shli %xor3A_125, %shift_left3A_128 : vector<4x672x224xi32>
    %shift_right_logical3A_130 = arith.constant 26 : i32
    %shift_right_logical3A_131 = vector.broadcast %shift_right_logical3A_130 : i32 to vector<4x672x224xi32>
    %shift_right_logical3A_132 = arith.shrui %xor3A_125, %shift_right_logical3A_131 : vector<4x672x224xi32>
    %or3A_133 = arith.ori %shift_left3A_129, %shift_right_logical3A_132 : vector<4x672x224xi32>
    %xor3A_134 = arith.xori %or3A_133, %add3A_126 : vector<4x672x224xi32>
    %add3A_135 = arith.constant 0 : i32
    %add3A_136 = vector.broadcast %add3A_135 : i32 to vector<4x672x224xi32>
    %add3A_137 = arith.addi %add3A_126, %add3A_136 : vector<4x672x224xi32>
    %add3A_138 = arith.constant 42 : i32
    %add3A_139 = vector.broadcast %add3A_138 : i32 to vector<4x672x224xi32>
    %add3A_140 = arith.addi %xor3A_134, %add3A_139 : vector<4x672x224xi32>
    %add3A_141 = arith.constant 3 : i32
    %add3A_142 = vector.broadcast %add3A_141 : i32 to vector<4x672x224xi32>
    %add3A_143 = arith.addi %add3A_140, %add3A_142 : vector<4x672x224xi32>
    %add3A_144 = arith.addi %add3A_137, %add3A_143 : vector<4x672x224xi32>
    %shift_left3A_145 = arith.constant 17 : i32
    %shift_left3A_146 = vector.broadcast %shift_left3A_145 : i32 to vector<4x672x224xi32>
    %shift_left3A_147 = arith.shli %add3A_143, %shift_left3A_146 : vector<4x672x224xi32>
    %shift_right_logical3A_148 = arith.constant 15 : i32
    %shift_right_logical3A_149 = vector.broadcast %shift_right_logical3A_148 : i32 to vector<4x672x224xi32>
    %shift_right_logical3A_150 = arith.shrui %add3A_143, %shift_right_logical3A_149 : vector<4x672x224xi32>
    %or3A_151 = arith.ori %shift_left3A_147, %shift_right_logical3A_150 : vector<4x672x224xi32>
    %xor3A_152 = arith.xori %or3A_151, %add3A_144 : vector<4x672x224xi32>
    %add3A_153 = arith.addi %add3A_144, %xor3A_152 : vector<4x672x224xi32>
    %shift_left3A_154 = arith.constant 29 : i32
    %shift_left3A_155 = vector.broadcast %shift_left3A_154 : i32 to vector<4x672x224xi32>
    %shift_left3A_156 = arith.shli %xor3A_152, %shift_left3A_155 : vector<4x672x224xi32>
    %shift_right_logical3A_157 = arith.constant 3 : i32
    %shift_right_logical3A_158 = vector.broadcast %shift_right_logical3A_157 : i32 to vector<4x672x224xi32>
    %shift_right_logical3A_159 = arith.shrui %xor3A_152, %shift_right_logical3A_158 : vector<4x672x224xi32>
    %or3A_160 = arith.ori %shift_left3A_156, %shift_right_logical3A_159 : vector<4x672x224xi32>
    %xor3A_161 = arith.xori %or3A_160, %add3A_153 : vector<4x672x224xi32>
    %add3A_162 = arith.addi %add3A_153, %xor3A_161 : vector<4x672x224xi32>
    %shift_left3A_163 = arith.constant 16 : i32
    %shift_left3A_164 = vector.broadcast %shift_left3A_163 : i32 to vector<4x672x224xi32>
    %shift_left3A_165 = arith.shli %xor3A_161, %shift_left3A_164 : vector<4x672x224xi32>
    %shift_right_logical3A_166 = arith.constant 16 : i32
    %shift_right_logical3A_167 = vector.broadcast %shift_right_logical3A_166 : i32 to vector<4x672x224xi32>
    %shift_right_logical3A_168 = arith.shrui %xor3A_161, %shift_right_logical3A_167 : vector<4x672x224xi32>
    %or3A_169 = arith.ori %shift_left3A_165, %shift_right_logical3A_168 : vector<4x672x224xi32>
    %xor3A_170 = arith.xori %or3A_169, %add3A_162 : vector<4x672x224xi32>
    %add3A_171 = arith.addi %add3A_162, %xor3A_170 : vector<4x672x224xi32>
    %shift_left3A_172 = arith.constant 24 : i32
    %shift_left3A_173 = vector.broadcast %shift_left3A_172 : i32 to vector<4x672x224xi32>
    %shift_left3A_174 = arith.shli %xor3A_170, %shift_left3A_173 : vector<4x672x224xi32>
    %shift_right_logical3A_175 = arith.constant 8 : i32
    %shift_right_logical3A_176 = vector.broadcast %shift_right_logical3A_175 : i32 to vector<4x672x224xi32>
    %shift_right_logical3A_177 = arith.shrui %xor3A_170, %shift_right_logical3A_176 : vector<4x672x224xi32>
    %or3A_178 = arith.ori %shift_left3A_174, %shift_right_logical3A_177 : vector<4x672x224xi32>
    %xor3A_179 = arith.xori %or3A_178, %add3A_171 : vector<4x672x224xi32>
    %add3A_180 = arith.constant 42 : i32
    %add3A_181 = vector.broadcast %add3A_180 : i32 to vector<4x672x224xi32>
    %add3A_182 = arith.addi %add3A_171, %add3A_181 : vector<4x672x224xi32>
    %add3A_183 = arith.constant 466689008 : i32
    %add3A_184 = vector.broadcast %add3A_183 : i32 to vector<4x672x224xi32>
    %add3A_185 = arith.addi %xor3A_179, %add3A_184 : vector<4x672x224xi32>
    %add3A_186 = arith.constant 4 : i32
    %add3A_187 = vector.broadcast %add3A_186 : i32 to vector<4x672x224xi32>
    %add3A_188 = arith.addi %add3A_185, %add3A_187 : vector<4x672x224xi32>
    %add3A_189 = arith.addi %add3A_182, %add3A_188 : vector<4x672x224xi32>
    %shift_left3A_190 = arith.constant 13 : i32
    %shift_left3A_191 = vector.broadcast %shift_left3A_190 : i32 to vector<4x672x224xi32>
    %shift_left3A_192 = arith.shli %add3A_188, %shift_left3A_191 : vector<4x672x224xi32>
    %shift_right_logical3A_193 = arith.constant 19 : i32
    %shift_right_logical3A_194 = vector.broadcast %shift_right_logical3A_193 : i32 to vector<4x672x224xi32>
    %shift_right_logical3A_195 = arith.shrui %add3A_188, %shift_right_logical3A_194 : vector<4x672x224xi32>
    %or3A_196 = arith.ori %shift_left3A_192, %shift_right_logical3A_195 : vector<4x672x224xi32>
    %xor3A_197 = arith.xori %or3A_196, %add3A_189 : vector<4x672x224xi32>
    %add3A_198 = arith.addi %add3A_189, %xor3A_197 : vector<4x672x224xi32>
    %shift_left3A_199 = arith.constant 15 : i32
    %shift_left3A_200 = vector.broadcast %shift_left3A_199 : i32 to vector<4x672x224xi32>
    %shift_left3A_201 = arith.shli %xor3A_197, %shift_left3A_200 : vector<4x672x224xi32>
    %shift_right_logical3A_202 = arith.constant 17 : i32
    %shift_right_logical3A_203 = vector.broadcast %shift_right_logical3A_202 : i32 to vector<4x672x224xi32>
    %shift_right_logical3A_204 = arith.shrui %xor3A_197, %shift_right_logical3A_203 : vector<4x672x224xi32>
    %or3A_205 = arith.ori %shift_left3A_201, %shift_right_logical3A_204 : vector<4x672x224xi32>
    %xor3A_206 = arith.xori %or3A_205, %add3A_198 : vector<4x672x224xi32>
    %add3A_207 = arith.addi %add3A_198, %xor3A_206 : vector<4x672x224xi32>
    %shift_left3A_208 = arith.constant 26 : i32
    %shift_left3A_209 = vector.broadcast %shift_left3A_208 : i32 to vector<4x672x224xi32>
    %shift_left3A_210 = arith.shli %xor3A_206, %shift_left3A_209 : vector<4x672x224xi32>
    %shift_right_logical3A_211 = arith.constant 6 : i32
    %shift_right_logical3A_212 = vector.broadcast %shift_right_logical3A_211 : i32 to vector<4x672x224xi32>
    %shift_right_logical3A_213 = arith.shrui %xor3A_206, %shift_right_logical3A_212 : vector<4x672x224xi32>
    %or3A_214 = arith.ori %shift_left3A_210, %shift_right_logical3A_213 : vector<4x672x224xi32>
    %xor3A_215 = arith.xori %or3A_214, %add3A_207 : vector<4x672x224xi32>
    %add3A_216 = arith.addi %add3A_207, %xor3A_215 : vector<4x672x224xi32>
    %shift_left3A_217 = arith.constant 6 : i32
    %shift_left3A_218 = vector.broadcast %shift_left3A_217 : i32 to vector<4x672x224xi32>
    %shift_left3A_219 = arith.shli %xor3A_215, %shift_left3A_218 : vector<4x672x224xi32>
    %shift_right_logical3A_220 = arith.constant 26 : i32
    %shift_right_logical3A_221 = vector.broadcast %shift_right_logical3A_220 : i32 to vector<4x672x224xi32>
    %shift_right_logical3A_222 = arith.shrui %xor3A_215, %shift_right_logical3A_221 : vector<4x672x224xi32>
    %or3A_223 = arith.ori %shift_left3A_219, %shift_right_logical3A_222 : vector<4x672x224xi32>
    %xor3A_224 = arith.xori %or3A_223, %add3A_216 : vector<4x672x224xi32>
    %add3A_225 = arith.constant 466689008 : i32
    %add3A_226 = vector.broadcast %add3A_225 : i32 to vector<4x672x224xi32>
    %add3A_227 = arith.addi %add3A_216, %add3A_226 : vector<4x672x224xi32>
    %add3A_228 = arith.constant 0 : i32
    %add3A_229 = vector.broadcast %add3A_228 : i32 to vector<4x672x224xi32>
    %add3A_230 = arith.addi %xor3A_224, %add3A_229 : vector<4x672x224xi32>
    %add3A_231 = arith.constant 5 : i32
    %add3A_232 = vector.broadcast %add3A_231 : i32 to vector<4x672x224xi32>
    %add3A_233 = arith.addi %add3A_230, %add3A_232 : vector<4x672x224xi32>
    %xor3A_234 = arith.xori %add3A_227, %add3A_233 : vector<4x672x224xi32>
    %shift_right_logical3A_235 = arith.constant 9 : i32
    %shift_right_logical3A_236 = vector.broadcast %shift_right_logical3A_235 : i32 to vector<4x672x224xi32>
    %shift_right_logical3A_237 = arith.shrui %xor3A_234, %shift_right_logical3A_236 : vector<4x672x224xi32>
    %or3A_238 = arith.constant 1065353216 : i32
    %or3A_239 = vector.broadcast %or3A_238 : i32 to vector<4x672x224xi32>
    %or3A_240 = arith.ori %shift_right_logical3A_237, %or3A_239 : vector<4x672x224xi32>
    %bitcast_convert_type3A = tpu.bitcast %or3A_240 : vector<4x672x224xi32> -> vector<4x672x224xf32>
    %sub3A = arith.constant 1.000000e+00 : f32
    %sub3A_241 = vector.broadcast %sub3A : f32 to vector<4x672x224xf32>
    %sub3A_242 = arith.subf %bitcast_convert_type3A, %sub3A_241 : vector<4x672x224xf32>
    %mul3A_243 = arith.constant 2.000000e+00 : f32
    %mul3A_244 = vector.broadcast %mul3A_243 : f32 to vector<4x672x224xf32>
    %mul3A_245 = arith.mulf %sub3A_242, %mul3A_244 : vector<4x672x224xf32>
    %add3A_246 = arith.constant -0.99999994 : f32
    %add3A_247 = vector.broadcast %add3A_246 : f32 to vector<4x672x224xf32>
    %add3A_248 = arith.addf %mul3A_245, %add3A_247 : vector<4x672x224xf32>
    %max3A = arith.constant -0.99999994 : f32
    %max3A_249 = vector.broadcast %max3A : f32 to vector<4x672x224xf32>
    %max3A_250 = arith.maximumf %max3A_249, %add3A_248 : vector<4x672x224xf32>
    %mul3A_251 = arith.mulf %max3A_250, %max3A_250 : vector<4x672x224xf32>
    %neg3A = arith.constant 0.000000e+00 : f32
    %neg3A_252 = vector.broadcast %neg3A : f32 to vector<4x672x224xf32>
    %neg3A_253 = arith.subf %neg3A_252, %mul3A_251 : vector<4x672x224xf32>
    %log1p3A = math.log1p %neg3A_253 : vector<4x672x224xf32>
    %neg3A_254 = arith.constant 0.000000e+00 : f32
    %neg3A_255 = vector.broadcast %neg3A_254 : f32 to vector<4x672x224xf32>
    %neg3A_256 = arith.subf %neg3A_255, %log1p3A : vector<4x672x224xf32>
    %lt3A = arith.constant 5.000000e+00 : f32
    %lt3A_257 = vector.broadcast %lt3A : f32 to vector<4x672x224xf32>
    %lt3A_258 = arith.cmpf olt, %neg3A_256, %lt3A_257 : vector<4x672x224xf32>
    %sub3A_259 = arith.constant 2.500000e+00 : f32
    %sub3A_260 = vector.broadcast %sub3A_259 : f32 to vector<4x672x224xf32>
    %sub3A_261 = arith.subf %neg3A_256, %sub3A_260 : vector<4x672x224xf32>
    %sqrt3A = math.sqrt %neg3A_256 : vector<4x672x224xf32>
    %sub3A_262 = arith.constant 3.000000e+00 : f32
    %sub3A_263 = vector.broadcast %sub3A_262 : f32 to vector<4x672x224xf32>
    %sub3A_264 = arith.subf %sqrt3A, %sub3A_263 : vector<4x672x224xf32>
    %select_n3A = arith.select %lt3A_258, %sub3A_261, %sub3A_264 : vector<4x672x224xi1>, vector<4x672x224xf32>
    %jit3A = arith.constant 2.81022636E-8 : f32
    %jit3A_265 = arith.constant -2.00214257E-4 : f32
    %broadcast_in_dim3A = vector.broadcast %jit3A : f32 to vector<4x672x224xf32>
    %broadcast_in_dim3A_266 = vector.broadcast %jit3A_265 : f32 to vector<4x672x224xf32>
    %select_n3A_267 = arith.select %lt3A_258, %broadcast_in_dim3A, %broadcast_in_dim3A_266 : vector<4x672x224xi1>, vector<4x672x224xf32>
    %jit3A_268 = arith.constant 3.43273939E-7 : f32
    %jit3A_269 = arith.constant 1.00950558E-4 : f32
    %broadcast_in_dim3A_270 = vector.broadcast %jit3A_268 : f32 to vector<4x672x224xf32>
    %broadcast_in_dim3A_271 = vector.broadcast %jit3A_269 : f32 to vector<4x672x224xf32>
    %select_n3A_272 = arith.select %lt3A_258, %broadcast_in_dim3A_270, %broadcast_in_dim3A_271 : vector<4x672x224xi1>, vector<4x672x224xf32>
    %mul3A_273 = arith.mulf %select_n3A_267, %select_n3A : vector<4x672x224xf32>
    %add3A_274 = arith.addf %select_n3A_272, %mul3A_273 : vector<4x672x224xf32>
    %jit3A_275 = arith.constant -3.5233877E-6 : f32
    %jit3A_276 = arith.constant 0.00134934322 : f32
    %broadcast_in_dim3A_277 = vector.broadcast %jit3A_275 : f32 to vector<4x672x224xf32>
    %broadcast_in_dim3A_278 = vector.broadcast %jit3A_276 : f32 to vector<4x672x224xf32>
    %select_n3A_279 = arith.select %lt3A_258, %broadcast_in_dim3A_277, %broadcast_in_dim3A_278 : vector<4x672x224xi1>, vector<4x672x224xf32>
    %mul3A_280 = arith.mulf %add3A_274, %select_n3A : vector<4x672x224xf32>
    %add3A_281 = arith.addf %select_n3A_279, %mul3A_280 : vector<4x672x224xf32>
    %jit3A_282 = arith.constant -4.39150654E-6 : f32
    %jit3A_283 = arith.constant -0.00367342844 : f32
    %broadcast_in_dim3A_284 = vector.broadcast %jit3A_282 : f32 to vector<4x672x224xf32>
    %broadcast_in_dim3A_285 = vector.broadcast %jit3A_283 : f32 to vector<4x672x224xf32>
    %select_n3A_286 = arith.select %lt3A_258, %broadcast_in_dim3A_284, %broadcast_in_dim3A_285 : vector<4x672x224xi1>, vector<4x672x224xf32>
    %mul3A_287 = arith.mulf %add3A_281, %select_n3A : vector<4x672x224xf32>
    %add3A_288 = arith.addf %select_n3A_286, %mul3A_287 : vector<4x672x224xf32>
    %jit3A_289 = arith.constant 2.1858087E-4 : f32
    %jit3A_290 = arith.constant 0.00573950773 : f32
    %broadcast_in_dim3A_291 = vector.broadcast %jit3A_289 : f32 to vector<4x672x224xf32>
    %broadcast_in_dim3A_292 = vector.broadcast %jit3A_290 : f32 to vector<4x672x224xf32>
    %select_n3A_293 = arith.select %lt3A_258, %broadcast_in_dim3A_291, %broadcast_in_dim3A_292 : vector<4x672x224xi1>, vector<4x672x224xf32>
    %mul3A_294 = arith.mulf %add3A_288, %select_n3A : vector<4x672x224xf32>
    %add3A_295 = arith.addf %select_n3A_293, %mul3A_294 : vector<4x672x224xf32>
    %jit3A_296 = arith.constant -0.00125372503 : f32
    %jit3A_297 = arith.constant -0.0076224613 : f32
    %broadcast_in_dim3A_298 = vector.broadcast %jit3A_296 : f32 to vector<4x672x224xf32>
    %broadcast_in_dim3A_299 = vector.broadcast %jit3A_297 : f32 to vector<4x672x224xf32>
    %select_n3A_300 = arith.select %lt3A_258, %broadcast_in_dim3A_298, %broadcast_in_dim3A_299 : vector<4x672x224xi1>, vector<4x672x224xf32>
    %mul3A_301 = arith.mulf %add3A_295, %select_n3A : vector<4x672x224xf32>
    %add3A_302 = arith.addf %select_n3A_300, %mul3A_301 : vector<4x672x224xf32>
    %jit3A_303 = arith.constant -0.00417768164 : f32
    %jit3A_304 = arith.constant 0.00943887047 : f32
    %broadcast_in_dim3A_305 = vector.broadcast %jit3A_303 : f32 to vector<4x672x224xf32>
    %broadcast_in_dim3A_306 = vector.broadcast %jit3A_304 : f32 to vector<4x672x224xf32>
    %select_n3A_307 = arith.select %lt3A_258, %broadcast_in_dim3A_305, %broadcast_in_dim3A_306 : vector<4x672x224xi1>, vector<4x672x224xf32>
    %mul3A_308 = arith.mulf %add3A_302, %select_n3A : vector<4x672x224xf32>
    %add3A_309 = arith.addf %select_n3A_307, %mul3A_308 : vector<4x672x224xf32>
    %jit3A_310 = arith.constant 0.246640727 : f32
    %jit3A_311 = arith.constant 1.00167406 : f32
    %broadcast_in_dim3A_312 = vector.broadcast %jit3A_310 : f32 to vector<4x672x224xf32>
    %broadcast_in_dim3A_313 = vector.broadcast %jit3A_311 : f32 to vector<4x672x224xf32>
    %select_n3A_314 = arith.select %lt3A_258, %broadcast_in_dim3A_312, %broadcast_in_dim3A_313 : vector<4x672x224xi1>, vector<4x672x224xf32>
    %mul3A_315 = arith.mulf %add3A_309, %select_n3A : vector<4x672x224xf32>
    %add3A_316 = arith.addf %select_n3A_314, %mul3A_315 : vector<4x672x224xf32>
    %jit3A_317 = arith.constant 1.50140941 : f32
    %jit3A_318 = arith.constant 2.83297682 : f32
    %broadcast_in_dim3A_319 = vector.broadcast %jit3A_317 : f32 to vector<4x672x224xf32>
    %broadcast_in_dim3A_320 = vector.broadcast %jit3A_318 : f32 to vector<4x672x224xf32>
    %select_n3A_321 = arith.select %lt3A_258, %broadcast_in_dim3A_319, %broadcast_in_dim3A_320 : vector<4x672x224xi1>, vector<4x672x224xf32>
    %mul3A_322 = arith.mulf %add3A_316, %select_n3A : vector<4x672x224xf32>
    %add3A_323 = arith.addf %select_n3A_321, %mul3A_322 : vector<4x672x224xf32>
    %mul3A_324 = arith.mulf %add3A_323, %max3A_250 : vector<4x672x224xf32>
    %mul3A_325 = arith.constant 1.41421354 : f32
    %mul3A_326 = vector.broadcast %mul3A_325 : f32 to vector<4x672x224xf32>
    %mul3A_327 = arith.mulf %mul3A_326, %mul3A_324 : vector<4x672x224xf32>
    %swap3A = arith.constant 0 : index
    %swap3A_328 = arith.constant 0 : index
    %swap3A_329 = arith.constant 0 : index
    %swap3A_330 = vector.load %arg6[%swap3A, %swap3A_328, %swap3A_329] : memref<4x672x224xf32, #tpu.memory_space<vmem>>, vector<4x672x224xf32>
    tpu.vector_store %arg6[%swap3A, %swap3A_328, %swap3A_329], %mul3A_327 {strides = array<i32>} : memref<4x672x224xf32, #tpu.memory_space<vmem>>, vector<4x672x224xf32>,
    %mul3A_331 = arith.constant 4 : i32
    %mul3A_332 = arith.muli %arg0, %mul3A_331 : i32
    %add3A_333 = arith.constant 0 : i32
    %add3A_334 = arith.addi %mul3A_332, %add3A_333 : i32
    %get3A = arith.index_cast %add3A_334 : i32 to index
    %get3A_335 = memref.load %arg1[%get3A] : memref<128xi32, #tpu.memory_space<smem>>
    %get3A_336 = arith.index_cast %get3A_335 : i32 to index
    %get3A_337 = memref.load %arg2[%get3A_336] : memref<1000xf32, #tpu.memory_space<smem>>
    %get3A_338 = arith.index_cast %get3A_335 : i32 to index
    %get3A_339 = memref.load %arg3[%get3A_338] : memref<1000xf32, #tpu.memory_space<smem>>
    %get3A_340 = arith.constant 0 : index
    %get3A_341 = arith.constant 0 : index
    %get3A_342 = arith.constant 0 : index
    %get3A_343 = vector.load %arg4[%get3A_340, %get3A_341, %get3A_342] : memref<4x672x224xf32, #tpu.memory_space<vmem>>, vector<1x672x224xf32>
    %get3A_344 = vector.shape_cast %get3A_343 : vector<1x672x224xf32> to vector<672x224xf32>
    %mul3A_345 = vector.broadcast %get3A_337 : f32 to vector<672x224xf32>
    %mul3A_346 = arith.mulf %mul3A_345, %get3A_344 : vector<672x224xf32>
    %slice3A = vector.extract_strided_slice %mul3A_327 {offsets = [0, 0, 0], sizes = [1, 672, 224], strides = [1, 1, 1]} : vector<4x672x224xf32> to vector<1x672x224xf32>
    %squeeze3A = vector.shape_cast %slice3A : vector<1x672x224xf32> to vector<672x224xf32>
    %mul3A_347 = vector.broadcast %get3A_339 : f32 to vector<672x224xf32>
    %mul3A_348 = arith.mulf %mul3A_347, %squeeze3A : vector<672x224xf32>
    %add3A_349 = arith.addf %mul3A_346, %mul3A_348 : vector<672x224xf32>
    %swap3A_350 = arith.constant 0 : index
    %swap3A_351 = arith.constant 0 : index
    %swap3A_352 = arith.constant 0 : index
    %swap3A_353 = vector.load %arg5[%swap3A_350, %swap3A_351, %swap3A_352] : memref<4x672x224xf32, #tpu.memory_space<vmem>>, vector<1x672x224xf32>
    %swap3A_354 = vector.shape_cast %swap3A_353 : vector<1x672x224xf32> to vector<672x224xf32>
    %swap3A_355 = vector.shape_cast %add3A_349 : vector<672x224xf32> to vector<1x672x224xf32>
    tpu.vector_store %arg5[%swap3A_350, %swap3A_351, %swap3A_352], %swap3A_355 {strides = array<i32>} : memref<4x672x224xf32, #tpu.memory_space<vmem>>, vector<1x672x224xf32>,
    %mul3A_356 = arith.constant 4 : i32
    %mul3A_357 = arith.muli %arg0, %mul3A_356 : i32
    %add3A_358 = arith.constant 1 : i32
    %add3A_359 = arith.addi %mul3A_357, %add3A_358 : i32
    %get3A_360 = arith.index_cast %add3A_359 : i32 to index
    %get3A_361 = memref.load %arg1[%get3A_360] : memref<128xi32, #tpu.memory_space<smem>>
    %get3A_362 = arith.index_cast %get3A_361 : i32 to index
    %get3A_363 = memref.load %arg2[%get3A_362] : memref<1000xf32, #tpu.memory_space<smem>>
    %get3A_364 = arith.index_cast %get3A_361 : i32 to index
    %get3A_365 = memref.load %arg3[%get3A_364] : memref<1000xf32, #tpu.memory_space<smem>>
    %get3A_366 = arith.constant 1 : index
    %get3A_367 = arith.constant 0 : index
    %get3A_368 = arith.constant 0 : index
    %get3A_369 = vector.load %arg4[%get3A_366, %get3A_367, %get3A_368] : memref<4x672x224xf32, #tpu.memory_space<vmem>>, vector<1x672x224xf32>
    %get3A_370 = vector.shape_cast %get3A_369 : vector<1x672x224xf32> to vector<672x224xf32>
    %mul3A_371 = vector.broadcast %get3A_363 : f32 to vector<672x224xf32>
    %mul3A_372 = arith.mulf %mul3A_371, %get3A_370 : vector<672x224xf32>
    %slice3A_373 = vector.extract_strided_slice %mul3A_327 {offsets = [1, 0, 0], sizes = [1, 672, 224], strides = [1, 1, 1]} : vector<4x672x224xf32> to vector<1x672x224xf32>
    %squeeze3A_374 = vector.shape_cast %slice3A_373 : vector<1x672x224xf32> to vector<672x224xf32>
    %mul3A_375 = vector.broadcast %get3A_365 : f32 to vector<672x224xf32>
    %mul3A_376 = arith.mulf %mul3A_375, %squeeze3A_374 : vector<672x224xf32>
    %add3A_377 = arith.addf %mul3A_372, %mul3A_376 : vector<672x224xf32>
    %swap3A_378 = arith.constant 1 : index
    %swap3A_379 = arith.constant 0 : index
    %swap3A_380 = arith.constant 0 : index
    %swap3A_381 = vector.load %arg5[%swap3A_378, %swap3A_379, %swap3A_380] : memref<4x672x224xf32, #tpu.memory_space<vmem>>, vector<1x672x224xf32>
    %swap3A_382 = vector.shape_cast %swap3A_381 : vector<1x672x224xf32> to vector<672x224xf32>
    %swap3A_383 = vector.shape_cast %add3A_377 : vector<672x224xf32> to vector<1x672x224xf32>
    tpu.vector_store %arg5[%swap3A_378, %swap3A_379, %swap3A_380], %swap3A_383 {strides = array<i32>} : memref<4x672x224xf32, #tpu.memory_space<vmem>>, vector<1x672x224xf32>,
    %mul3A_384 = arith.constant 4 : i32
    %mul3A_385 = arith.muli %arg0, %mul3A_384 : i32
    %add3A_386 = arith.constant 2 : i32
    %add3A_387 = arith.addi %mul3A_385, %add3A_386 : i32
    %get3A_388 = arith.index_cast %add3A_387 : i32 to index
    %get3A_389 = memref.load %arg1[%get3A_388] : memref<128xi32, #tpu.memory_space<smem>>
    %get3A_390 = arith.index_cast %get3A_389 : i32 to index
    %get3A_391 = memref.load %arg2[%get3A_390] : memref<1000xf32, #tpu.memory_space<smem>>
    %get3A_392 = arith.index_cast %get3A_389 : i32 to index
    %get3A_393 = memref.load %arg3[%get3A_392] : memref<1000xf32, #tpu.memory_space<smem>>
    %get3A_394 = arith.constant 2 : index
    %get3A_395 = arith.constant 0 : index
    %get3A_396 = arith.constant 0 : index
    %get3A_397 = vector.load %arg4[%get3A_394, %get3A_395, %get3A_396] : memref<4x672x224xf32, #tpu.memory_space<vmem>>, vector<1x672x224xf32>
    %get3A_398 = vector.shape_cast %get3A_397 : vector<1x672x224xf32> to vector<672x224xf32>
    %mul3A_399 = vector.broadcast %get3A_391 : f32 to vector<672x224xf32>
    %mul3A_400 = arith.mulf %mul3A_399, %get3A_398 : vector<672x224xf32>
    %slice3A_401 = vector.extract_strided_slice %mul3A_327 {offsets = [2, 0, 0], sizes = [1, 672, 224], strides = [1, 1, 1]} : vector<4x672x224xf32> to vector<1x672x224xf32>
    %squeeze3A_402 = vector.shape_cast %slice3A_401 : vector<1x672x224xf32> to vector<672x224xf32>
    %mul3A_403 = vector.broadcast %get3A_393 : f32 to vector<672x224xf32>
    %mul3A_404 = arith.mulf %mul3A_403, %squeeze3A_402 : vector<672x224xf32>
    %add3A_405 = arith.addf %mul3A_400, %mul3A_404 : vector<672x224xf32>
    %swap3A_406 = arith.constant 2 : index
    %swap3A_407 = arith.constant 0 : index
    %swap3A_408 = arith.constant 0 : index
    %swap3A_409 = vector.load %arg5[%swap3A_406, %swap3A_407, %swap3A_408] : memref<4x672x224xf32, #tpu.memory_space<vmem>>, vector<1x672x224xf32>
    %swap3A_410 = vector.shape_cast %swap3A_409 : vector<1x672x224xf32> to vector<672x224xf32>
    %swap3A_411 = vector.shape_cast %add3A_405 : vector<672x224xf32> to vector<1x672x224xf32>
    tpu.vector_store %arg5[%swap3A_406, %swap3A_407, %swap3A_408], %swap3A_411 {strides = array<i32>} : memref<4x672x224xf32, #tpu.memory_space<vmem>>, vector<1x672x224xf32>,
    %mul3A_412 = arith.constant 4 : i32
    %mul3A_413 = arith.muli %arg0, %mul3A_412 : i32
    %add3A_414 = arith.constant 3 : i32
    %add3A_415 = arith.addi %mul3A_413, %add3A_414 : i32
    %get3A_416 = arith.index_cast %add3A_415 : i32 to index
    %get3A_417 = memref.load %arg1[%get3A_416] : memref<128xi32, #tpu.memory_space<smem>>
    %get3A_418 = arith.index_cast %get3A_417 : i32 to index
    %get3A_419 = memref.load %arg2[%get3A_418] : memref<1000xf32, #tpu.memory_space<smem>>
    %get3A_420 = arith.index_cast %get3A_417 : i32 to index
    %get3A_421 = memref.load %arg3[%get3A_420] : memref<1000xf32, #tpu.memory_space<smem>>
    %get3A_422 = arith.constant 3 : index
    %get3A_423 = arith.constant 0 : index
    %get3A_424 = arith.constant 0 : index
    %get3A_425 = vector.load %arg4[%get3A_422, %get3A_423, %get3A_424] : memref<4x672x224xf32, #tpu.memory_space<vmem>>, vector<1x672x224xf32>
    %get3A_426 = vector.shape_cast %get3A_425 : vector<1x672x224xf32> to vector<672x224xf32>
    %mul3A_427 = vector.broadcast %get3A_419 : f32 to vector<672x224xf32>
    %mul3A_428 = arith.mulf %mul3A_427, %get3A_426 : vector<672x224xf32>
    %slice3A_429 = vector.extract_strided_slice %mul3A_327 {offsets = [3, 0, 0], sizes = [1, 672, 224], strides = [1, 1, 1]} : vector<4x672x224xf32> to vector<1x672x224xf32>
    %squeeze3A_430 = vector.shape_cast %slice3A_429 : vector<1x672x224xf32> to vector<672x224xf32>
    %mul3A_431 = vector.broadcast %get3A_421 : f32 to vector<672x224xf32>
    %mul3A_432 = arith.mulf %mul3A_431, %squeeze3A_430 : vector<672x224xf32>
    %add3A_433 = arith.addf %mul3A_428, %mul3A_432 : vector<672x224xf32>
    %swap3A_434 = arith.constant 3 : index
    %swap3A_435 = arith.constant 0 : index
    %swap3A_436 = arith.constant 0 : index
    %swap3A_437 = vector.load %arg5[%swap3A_434, %swap3A_435, %swap3A_436] : memref<4x672x224xf32, #tpu.memory_space<vmem>>, vector<1x672x224xf32>
    %swap3A_438 = vector.shape_cast %swap3A_437 : vector<1x672x224xf32> to vector<672x224xf32>
    %swap3A_439 = vector.shape_cast %add3A_433 : vector<672x224xf32> to vector<1x672x224xf32>
    tpu.vector_store %arg5[%swap3A_434, %swap3A_435, %swap3A_436], %swap3A_439 {strides = array<i32>} : memref<4x672x224xf32, #tpu.memory_space<vmem>>, vector<1x672x224xf32>,
    return
  }
  func.func @transform_0(%arg0: i32) -> i32 {
    %c0_i32 = arith.constant 0 : i32
    %c0_i32_0 = arith.constant 0 : i32
    return %c0_i32 : i32
  }
  func.func @transform_1(%arg0: i32) -> i32 {
    %c0_i32 = arith.constant 0 : i32
    %c0_i32_0 = arith.constant 0 : i32
    return %c0_i32 : i32
  }
  func.func @transform_2(%arg0: i32) -> i32 {
    %c0_i32 = arith.constant 0 : i32
    %c0_i32_0 = arith.constant 0 : i32
    return %c0_i32 : i32
  }
  func.func @transform_3(%arg0: i32) -> (i32, i32, i32) {
    %c0_i32 = arith.constant 0 : i32
    %c0_i32_0 = arith.constant 0 : i32
    %c0_i32_1 = arith.constant 0 : i32
    return %arg0, %c0_i32, %c0_i32_0 : i32, i32, i32
  }
  func.func @transform_4(%arg0: i32) -> (i32, i32, i32) {
    %c0_i32 = arith.constant 0 : i32
    %c0_i32_0 = arith.constant 0 : i32
    %c0_i32_1 = arith.constant 0 : i32
    return %arg0, %c0_i32, %c0_i32_0 : i32, i32, i32
  }
  func.func @transform_5(%arg0: i32) -> (i32, i32, i32) {
    %c0_i32 = arith.constant 0 : i32
    %c0_i32_0 = arith.constant 0 : i32
    %c0_i32_1 = arith.constant 0 : i32
    return %arg0, %c0_i32, %c0_i32_0 : i32, i32, i32
  }
}

</mosaic_0001>

<sc_bundles>
// kernel: sparse-core-data-format-call.1.cloned.1.call-start
scs
called_computation.1_lowered:
.L_overlay_start_0:
0x0: {  	s2 =	sld [smem:$0x3FD9]  }
0x1: {  	s3 =	sld [smem:$0x3FFE];
	_ =	sdelay $0x1  }
0x2: {  	s1 =	srdreg.scid  }
0x3: {  	s0 =	sand.u32 $0x1, s1  }
0x4: {  	s16 =	sshll.u32 s0, $0xA;
	s2 =	sadd.s32 s3, s2  }
0x5: {  	s2 =	sadd.s32 s2, s16  }
0x6: {  	[smem:$0x3FC4] =	sst s2  }
0x7: {  	_ = 	snop  }
0x8: {  	s2 =	sld [smem:$0x3FD0];
	_ =	sdelay $0x2  }
0x9: {  	s17 =	simm.s32 $0xB;
	s4 =	simm.s32 $0x10  }
0xa: {  	[smem:s4], [sflag:s17] =	dma.local [hbm:s2], $0x1  }
0xb: {  	_ =	swait.eq [sflag:s17], $0x1  }
0xc: {  	[sflag:s17] =	ssyncset.done $0x0  }
0xd: {  	[sflag:s17] =	ssyncadd.s32 $0xFFFFFFFF  }
0xe: {  	s18 =	sld [smem:$0x10];
	(tm) =	ssettm $0x1  }
0xf: {  	s19 =	sld [smem:$0x3FFB];
	_ =	sdelay $0x3  }
0x10: {  	_ =	strace s19  }
0x11: {  	s2 =	sld [smem:$0x3FFC];
	_ =	sdelay $0x3  }
0x12: {  	_ =	strace s2  }
0x13: {  	s2 =	sld [smem:$0x3FFD];
	_ =	sdelay $0x3  }
0x14: {  	_ =	strace s2  }
0x15: {  	_ =	strace $0x8FFFFFFF  }
0x16: {  	s20 =	sld [smem:$0x3FDB];
	_ =	sdelay $0x1  }
0x17: {  	s21 =	simm.s32 $_scs_section_size  }
0x18: {  	s5 =	simm.s32 $_size__tile_overlayer_lowered;
	s6 =	simm.s32 $_tile_overlayer_lowered  }
0x19: {  	s7 =	simm.s32 $0x1BFF;
	s22 =	sshll.u32 s6, $0x1;
	s4 =	sadd.s32 s21, s20  }
0x1a: {  	s23 =	simm.s32 $0x0;
	s5 =	sshll.u32 s5, $0x1;
	s6 =	sadd.s32 s22, s4  }
0x1b: {  	[timem:s23], [sflag:s7] =	dma.local [hbm:s6], s5  }
0x1c: {  	_ =	swait.ge [sflag:s7], s5  }
0x1d: {  	s5 =	ssub.s32 $0x0, s5;
	[sflag:s7] =	ssyncset.done $0x0  }
0x1e: {  	[sflag:s7] =	ssyncadd.s32 s5;
	_ =	sdelay $0x1  }
0x1f: {  	s24 =	simm.s32 $0x1B8B  }
0x20: {  	_ =	swait.ge [sflag:s24], $0x1  }
0x21: {  	[sflag:s24] =	ssyncset.done $0x0  }
0x22: {  	[sflag:s24] =	ssyncadd.s32 $0xFFFFFFFF  }
0x23: {  	s5 =	sld [smem:$0x0]  }
0x24: {  	s6 =	sand.u32 $0xFFFFFFFE, s1  }
0x25: {  	p0 =	sne.s32 s1, s6  }
0x26: {  	s6 =	sshll.u32 @p0 s6, $0xE  }
0x27: {  	s6 =	sadd.s32 @p0 $0x11B8D, s6;
	s7 =	sshll.u32 @p0 s5, $0x11  }
0x28: {  	s6 =	sor.u32 @p0 s7, s6  }
0x29: {  	[sflag:s6] =	ssyncadd.remote.s32 @p0 $0x1;
	_ =	sdelay $0x1  }
0x2a: {  	s6 =	simm.s32 @p0 $0x1B8D  }
0x2b: {  	_ =	swait.eq @p0 [sflag:s6], $0x1  }
0x2c: {  	[sflag:s6] =	ssyncadd.s32 @p0 $0xFFFFFFFF  }
0x2d: {  	s7 =	sshll.u32 @!p0 s1, $0xE  }
0x2e: {  	s7 =	sor.u32 @!p0 $0x4000, s7;
	s6 =	simm.s32 @!p0 $0x1B8D  }
0x2f: {  	s5 =	sshll.u32 @!p0 s5, $0x11;
	s7 =	sadd.s32 @!p0 $0x11B8D, s7;
	_ =	swait.eq @!p0 [sflag:s6], $0x1  }
0x30: {  	s5 =	sor.u32 @!p0 s5, s7;
	[sflag:s6] =	ssyncadd.s32 @!p0 $0xFFFFFFFF  }
0x31: {  	s26 =	simm.s32 $0x1B8E;
	s25 =	sld [smem:$0x3FFE];
	[sflag:s5] =	ssyncadd.remote.s32 @!p0 $0x1  }
0x32: {  	s27 =	simm.s32 $execute0_lowered;
	[smem:$0x3FD2] =	sst s26  }
0x33: {  	s6 =	sshll.u32 s27, $0x1;
	_ =	strace $0x80000049;
	[dreg:$0x1] =	wrdreg $0xFFFFFFFF  }
0x34: {  	s28 =	simm.s32 $_size_execute0_lowered;
	s4 =	sadd.s32 s4, s6;
	[dreg:$0x0] =	wrdreg $0x0  }
0x35: {  	s6 =	sshll.u32 s28, $0x1;
	[dreg:$0x2] =	wrdreg s4  }
0x36: {  	[dreg:$0x3] =	wrdreg s6  }
0x37: {  	[dreg:$0x4] =	wrdreg $0xC0  }
0x38: {  	_ =	task [dreg:s23], $0x5FFFF  }
0x39: {  	[dreg:$0x1] =	wrdreg $0xFFFFFFFF  }
0x3a: {  	[dreg:$0x0] =	wrdreg $0x60  }
0x3b: {  	[dreg:$0x2] =	wrdreg s25  }
0x3c: {  	[dreg:$0x3] =	wrdreg s18  }
0x3d: {  	[dreg:$0x4] =	wrdreg $0xA  }
0x3e: {  	_ =	task.clear_ibuf [dreg:s23], $0x5FFFF;
	_ =	strace $0x90000049  }
0x3f: {  	s29 =	simm.s32 $0xA;
	_ =	strace $0x8000004B  }
0x40: {  	_ =	swait.ge [sflag:s29], $0x1  }
0x41: {  	[sflag:s29] =	ssyncadd.s32 $0xFFFFFFFF  }
0x42: {  	_ =	strace $0x9000004B  }
0x43: {  	_ =	sfence  }
0x44: {  	s30 =	sld [smem:$0x0];
	_ =	sdelay $0x2  }
0x45: {  	s31 =	sshll.u32 s1, $0xD;
	s1 =	sshrl.u32 s1, $0x2  }
0x46: {  	s4 =	sand.u32 $0x4000, s31;
	s1 =	sadd.s32 s1, s30  }
0x47: {  	s0 =	sor.u32 s4, s0;
	s1 =	sshll.u32 s1, $0x11  }
0x48: {  	s0 =	sor.u32 s1, s0  }
0x49: {  	s0 =	sadd.s32 $0x8F2B, s0  }
0x4a: {  	[sflag:s0] =	ssyncadd.remote.s32 $0x1  }
0x4b: {  	_ =	sfence.sel $0xFFFF  }
0x4c: {  	[dreg:$0x0] =	wrdreg $0xFFFFFFFF;
	(pc) =	sbr.abs _section_cstart, $3  }
0x4d: {  	[dreg:$0x1] =	wrdreg $0xFFFFFFFF  }
0x4e: {  	_ =	task.clear_ibuf [dreg:s23], $0x2FFFF;
	_ =	strace $0x9FFFFFFF  }
0x4f: {  	(tm) =	ssettm $0x7FFFFFFF  }
tec
execute0_lowered:
.L_overlay_start_1:
0x0: {  	(tag) =	ssettag $0x1  }
0x1: {  	s1 =	rddreg [dreg:$0x0]  }
0x2: {  	s2 =	rddreg [dreg:$0x1]  }
0x3: {  	s0 =	rddreg [dreg:$0x2];
	_ =	strace $0x8000004A;
	s4 =	srdreg.scid  }
0x4: {  	s6 =	simm.s32 $0x2;
	s15 =	simm.s32 $0x0;
	p0 =	por $0x0, $0x0  }
0x5: {  	s17 =	simm.s32 $0x0;
	s18 =	simm.s32 $0x0;
	s16 =	simm.s32 $0x0  }
0x6: {  	s7 =	simm.s32 $0x0;
	s9 =	simm.s32 $0x0;
	s10 =	simm.s32 $0x0  }
.Ltmp0:
0x7: {  	s11 =	simm.s32 $0x0;
	s13 =	simm.s32 $0x0;
	(pc) =	sbr.rel .LBB1_1-.Ltmp0, $4  }
0x8: {  	s14 =	simm.s32 $0x0;
	s3 =	sadd.s32 $0x541000, s1;
	s5 =	sshll.u32 s4, $0x4  }
0x9: {  	s1 =	stileid.u32;
	s4 =	simm.s32 $0x1;
	s5 =	sand.u32 $0x10, s5  }
0xa: {  	s8 =	simm.s32 $0x0;
	[sflag:s4] =	ssyncpa.u1 $0x0;
	s5 =	sor.u32 s1, s5  }
0xb: {  	[sflag:s6] =	ssyncpa.u1 $0x0;
	s6 =	simm.s32 $0x0;
	s12 =	smov.u32 s5  }
.LBB1_5:
0xc: {  	p1 =	slt.u32 s8, $0x2;
	s19 =	smov.u32 s18  }
0xd: {  	s22 =	smov.u32 s14;
	s8 =	sadd.s32 $0x1, s8;
	p2 =	sgt.s32 @!p1 s18, $0x2  }
0xe: {  	s20 =	sshra.s32 @!p1 s18, $0x1F;
	p3 =	sgt.s32 @!p1 s15, $0x60;
	p2 =	por !p2, p1  }
0xf: {  	s18 =	sand.u32 @!p1 s20, s18;
	s20 =	sshra.s32 @!p1 s17, $0x1F;
	s19 =	simm.s32 @p2 $0x2  }
0x10: {  	p3 =	por !p3, p1;
	p2 =	sgt.s32 @!p1 s17, $0xDF;
	s18 =	ssub.s32 @!p1 s19, s18  }
0x11: {  	p2 =	por !p2, p1;
	s19 =	smov.u32 s17;
	s17 =	sand.u32 @!p1 s20, s17  }
0x12: {  	s20 =	sadd.s32 @!p1 $0xFFFFFFFE, s18;
	s19 =	simm.s32 @p2 $0xDF;
	s18 =	ssub.s32 @!p1 $0x3, s18  }
0x13: {  	p2 =	sgt.s32 @!p1 s20, $0x0;
	s17 =	ssub.s32 @!p1 s19, s17;
	s20 =	smov.u32 s15  }
0x14: {  	p2 =	por !p2, p1;
	s19 =	sadd.s32 @!p1 $0xFFFFFF21, s17;
	s17 =	ssub.s32 @!p1 $0xE0, s17  }
0x15: {  	s18 =	simm.s32 @!p2 $0x0;
	p2 =	sgt.s32 @!p1 s19, $0x0;
	s19 =	sshra.s32 @!p1 s15, $0x1F  }
0x16: {  	s15 =	sand.u32 @!p1 s19, s15;
	s19 =	ssub.s32 @!p1 $0x0, s16;
	p2 =	por !p2, p1  }
0x17: {  	s20 =	simm.s32 @p3 $0x60;
	s16 =	smin.u32 @!p1 s16, s19;
	s17 =	simm.s32 @!p2 $0x0  }
0x18: {  	s15 =	ssub.s32 @!p1 s20, s15;
	s20 =	smov.u32 s12;
	p2 =	sgt.s32 @!p1 s16, $0x7F  }
0x19: {  	s19 =	sadd.s32 @!p1 $0xFFFFFFA0, s15;
	s16 =	ssub.s32 @!p1 $0x80, s16;
	p2 =	por !p2, p1  }
0x1a: {  	p3 =	sgt.s32 @!p1 s19, $0x7F;
	s19 =	sadd.s32 $0x80, s11;
	s16 =	simm.s32 @!p2 $0x0  }
0x1b: {  	p2 =	sgt.s32 s19, $0xDF;
	s16 =	smul.u32 @!p1 s16, s18;
	s18 =	sadd.s32 $0x20, s12  }
0x1c: {  	p0 =	por !p0, !p0;
	s23 =	simm.s32 @!p1 $0x2;
	s20 =	smov.u32 @p2 s18  }
0x1d: {  	s16 =	smul.u32 @!p1 s17, s16;
	p4 =	sgt.s32 s20, $0xDF;
	s17 =	simm.s32 $0x1  }
0x1e: {  	s15 =	ssub.s32 @!p1 $0xE0, s15;
	p3 =	por !p3, p1;
	s17 =	simm.s32 @!p4 $0x0  }
0x1f: {  	s15 =	simm.s32 @!p3 $0x0;
	s19 =	simm.s32 @p2 $0x0;
	s21 =	sadd.s32 s17, s13  }
0x20: {  	s15 =	smul.u32 @!p1 s15, s16;
	s16 =	sadd.s32 $0x80, s14;
	p2 =	sgt.s32 s21, $0x2  }
0x21: {  	s18 =	smov.u32 s9;
	s9 =	smov.u32 s13;
	s22 =	smov.u32 @p2 s16  }
0x22: {  	s20 =	smov.u32 @p4 s5;
	s21 =	simm.s32 @p2 $0x0;
	p2 =	sgt.s32 s22, $0x7F  }
0x23: {  	s17 =	smov.u32 s7;
	s22 =	simm.s32 @p2 $0x0;
	p2 =	sne.s32 s8, $0x2C  }
.Ltmp1:
0x24: {  	s7 =	smov.u32 s12;
	s12 =	smov.u32 s20;
	(pc) =	sbr.rel @!p2 .LBB1_6-.Ltmp1, $4  }
0x25: {  	s15 =	sand.u32 @!p1 $0x3FFFFFFF, s15;
	s16 =	smov.u32 s10;
	s10 =	smov.u32 s14  }
0x26: {  	_ =	swait.ge @!p1 [sflag:s23], s15;
	s24 =	ssub.s32 @!p1 $0x0, s15;
	s15 =	smov.u32 s6  }
0x27: {  	s6 =	smov.u32 s11;
	s11 =	smov.u32 s19;
	[sflag:s23] =	ssyncset.done @!p1 $0x0  }
0x28: {  	s13 =	smov.u32 s21;
	[sflag:s23] =	ssyncadd.s32 @!p1 s24;
	s14 =	smov.u32 s22  }
.LBB1_1:
0x29: {  	p1 =	sgt.u32 s8, $0x29  }
0x2a: {  	s19 =	sshll.u32 @!p1 s12, $0x8;
	s20 =	sshll.u32 @!p1 s11, $0x3  }
0x2b: {  	s21 =	sshll.u32 @!p1 s12, $0x7;
	s19 =	sand.u32 @!p1 $0xFFFFF800, s19;
	s20 =	sand.u32 @!p1 $0xFFFFFC00, s20  }
0x2c: {  	s19 =	sadd.s32 @!p1 s19, s20;
	s20 =	sand.u32 @!p1 $0x300, s21  }
0x2d: {  	s19 =	sor.u32 @!p1 s20, s19  }
0x2e: {  	s19 =	sshrl.u32 @!p1 s19, $0x8  }
0x2f: {  	s20 =	smulhi.u32 @!p1 $0x124924A, s19  }
0x30: {  	s22 =	sxor.u32 @!p1 $0xFFFFFFFF, s8;
	s24 =	smul.u32 @!p1 $0x5400, s14  }
0x31: {  	s23 =	sand.u32 @!p1 $0x78, s11;
	s21 =	sand.u32 @!p1 $0x80, s21;
	s20 =	smul.u32 @!p1 $0xE0, s20  }
0x32: {  	s22 =	sshll.u32 @!p1 s22, $0xE;
	s21 =	sor.u32 @!p1 s23, s21;
	s23 =	smul.u32 @!p1 $0x1C00, s13  }
0x33: {  	s19 =	ssub.s32 @!p1 s19, s20;
	s20 =	sand.u32 @!p1 $0x4000, s22;
	s22 =	sadd.s32 @!p1 s3, s24  }
0x34: {  	s21 =	sshrl.u32 @!p1 s21, $0x3;
	s22 =	sadd.s32 @!p1 s23, s22;
	s23 =	sand.u32 @!p1 $0x7, s11  }
0x35: {  	s19 =	sshll.u32 @!p1 s19, $0x5;
	s21 =	sadd.s32 @!p1 s21, s22;
	s22 =	sshll.u32 @!p1 s23, $0x12  }
0x36: {  	s19 =	sadd.s32 @!p1 s19, s21;
	s21 =	sor.u32 @!p1 $0x80, s22;
	s22 =	simm.s32 @!p1 $0x2A000  }
0x37: {  	[tilespmem:s20], [sflag:$0x1] =	stream.strided.gather @!p1 [hbm4b:s19+s21], $0x4000, s22, s21, $0x38;
	[tilespmem:$0x10100] =	vst v63  }
0x38: {  	p1 =	seq.s32 s8, $0x0  }
0x39: {  	p2 =	seq.s32 @!p1 s8, $0x2B  }
0x3a: {  	p1 =	por p1, p2  }
.Ltmp2:
0x3b: {  	_ = 	snop;
	(pc) =	sbr.rel @p1 .LBB1_5-.Ltmp2, $1  }
0x3c: {  	_ =	sdelay $0x3  }
0x3d: {  	s19 =	simm.s32 $0x1  }
0x3e: {  	_ =	swait.ge [sflag:s4], $0x4000;
	s19 =	simm.s32 @!p0 $0x0  }
0x3f: {  	[sflag:s4] =	ssyncset.done $0x0;
	s20 =	sshll.u32 s19, $0xE  }
0x40: {  	[sflag:s4] =	ssyncadd.s32 $0xFFFFC000;
	s20 =	sor.u32 $0x40, s20  }
0x41: {  	s19 =	smul.u32 $0x10200, s19;
	v0 =	vld [tilespmem:s20+$0x30]  }
0x42: {  	v1 =	vld [tilespmem:s20+$0xFFFFFFD0]  }
0x43: {  	s19 =	sshrl.u32 s19, $0x2;
	v5 =	vld [tilespmem:s20+$0xFFFFFFE0]  }
0x44: {  	v6 =	vld [tilespmem:s20+$0xFFFFFFF0];
	s22 =	sor.u32 $0x8000, s19  }
0x45: {  	s31 =	sand.u32 $0x1, s8;
	v4 =	vld [tilespmem:s20+$0x0];
	s21 =	sadd.s32 $0x0, s22  }
0x46: {  	v3 =	vld [tilespmem:s20+$0x10];
	s19 =	smul.u32 $0x10200, s31;
	[tilespmem:s21+$0x3870 ss:$0x81] =	vst.msk $0xffff, v0  }
0x47: {  	v2 =	vld [tilespmem:s20+$0x20];
	[tilespmem:s21+$0x810 ss:$0x81] =	vst.msk $0xffff, v1  }
0x48: {  	s19 =	sshrl.u32 s19, $0x2;
	v1 =	vld [tilespmem:s20+$0xFFFFFFC0];
	[tilespmem:s21+$0x1020 ss:$0x81] =	vst.msk $0xffff, v5;
	s20 =	sadd.s32 $0x80, s20  }
0x49: {  	s23 =	simm.s32 $0x4;
	s24 =	simm.s32 $0x8;
	s19 =	sor.u32 $0x8000, s19;
	[tilespmem:s21+$0x1830 ss:$0x81] =	vst.msk $0xffff, v6;
	v0 =	vld [tilespmem:s20+$0x30]  }
.LBB1_3:
0x4a: {  	p1 =	sne.s32 s24, $0x1FC;
	v5 =	vld [tilespmem:s20+$0xFFFFFFD0];
	[tilespmem:s21+$0x2040 ss:$0x81] =	vst.msk $0xffff, v4  }
0x4b: {  	v6 =	vld [tilespmem:s20+$0xFFFFFFE0];
	[tilespmem:s21+$0x2850 ss:$0x81] =	vst.msk $0xffff, v3  }
0x4c: {  	s25 =	sshra.s32 s23, $0x2;
	s23 =	smov.u32 s24;
	v7 =	vld [tilespmem:s20+$0xFFFFFFF0];
	[tilespmem:s21+$0x3060 ss:$0x81] =	vst.msk $0xffff, v2  }
.Ltmp3:
0x4d: {  	v4 =	vld [tilespmem:s20+$0x0];
	[tilespmem:s21+$0x0 ss:$0x81] =	vst.msk $0xffff, v1;
	s21 =	sadd.s32 s25, s22;
	(pc) =	sbr.rel @p1 .LBB1_3-.Ltmp3, $4  }
0x4e: {  	v3 =	vld [tilespmem:s20+$0x10];
	[tilespmem:s21+$0x3870 ss:$0x81] =	vst.msk $0xffff, v0  }
0x4f: {  	[tilespmem:s21+$0x810 ss:$0x81] =	vst.msk $0xffff, v5;
	v2 =	vld [tilespmem:s20+$0x20]  }
0x50: {  	v1 =	vld [tilespmem:s20+$0xFFFFFFC0];
	[tilespmem:s21+$0x1020 ss:$0x81] =	vst.msk $0xffff, v6;
	s20 =	sadd.s32 $0x80, s20  }
0x51: {  	s24 =	sadd.s32 $0x4, s24;
	v0 =	vld [tilespmem:s20+$0x30];
	[tilespmem:s21+$0x1830 ss:$0x81] =	vst.msk $0xffff, v7  }
0x52: {  	s24 =	sshll.u32 s6, $0x7;
	s25 =	sshll.u32 s10, $0x3  }
0x53: {  	s23 =	sshra.s32 s23, $0x2;
	p1 =	sgt.s32 s9, $0x2;
	s29 =	sshra.s32 s9, $0x1F  }
0x54: {  	p2 =	sgt.s32 s7, $0xDF;
	s27 =	smov.u32 s7;
	s28 =	sshra.s32 s7, $0x1F  }
0x55: {  	s31 =	sshra.s32 s6, $0x1F;
	s26 =	sand.u32 $0xFFFFFC00, s24;
	s25 =	sand.u32 $0xFFFFFC00, s25  }
0x56: {  	s24 =	sand.u32 $0x380, s24;
	s22 =	sadd.s32 s23, s22;
	s25 =	sadd.s32 s25, s26  }
0x57: {  	s27 =	simm.s32 @!p2 $0xDF;
	s24 =	sor.u32 s24, s25;
	s25 =	smov.u32 s9  }
0x58: {  	s30 =	sand.u32 s28, s7;
	s26 =	sand.u32 s29, s9;
	s25 =	simm.s32 @!p1 $0x2  }
0x59: {  	p2 =	sgt.s32 s6, $0x60;
	s28 =	sand.u32 s31, s6;
	s25 =	ssub.s32 s25, s26  }
0x5a: {  	s31 =	smul.u32 $0xC4000, s9;
	s24 =	sshrl.u32 s24, $0x7;
	s26 =	sadd.s32 $0xFFFFFFFE, s25  }
0x5b: {  	s23 =	smulhi.u32 $0x2492493, s24;
	p1 =	sgt.s32 s26, $0x0;
	s26 =	ssub.s32 s27, s30  }
0x5c: {  	v5 =	vld [tilespmem:s20+$0xFFFFFFD0];
	[tilespmem:s21+$0x2040 ss:$0x81] =	vst.msk $0xffff, v4;
	s25 =	ssub.s32 $0x3, s25;
	s27 =	smov.u32 s6;
	s29 =	sadd.s32 $0xFFFFFF21, s26  }
0x5d: {  	v58 =	vld [tilespmem:s20+$0xFFFFFFE0];
	[tilespmem:s21+$0x2850 ss:$0x81] =	vst.msk $0xffff, v3;
	s27 =	simm.s32 @!p2 $0x60;
	p2 =	sgt.s32 s29, $0x0;
	s29 =	ssub.s32 $0x0, s10  }
0x5e: {  	v59 =	vld [tilespmem:s20+$0xFFFFFFF0];
	[tilespmem:s21+$0x3060 ss:$0x81] =	vst.msk $0xffff, v2;
	s23 =	sshrl.u32 s23, $0x1;
	s27 =	ssub.s32 s27, s28;
	s28 =	smin.u32 s10, s29  }
0x5f: {  	v60 =	vld [tilespmem:s20+$0x0];
	[tilespmem:s21+$0x0 ss:$0x81] =	vst.msk $0xffff, v1;
	s25 =	simm.s32 @p1 $0x0;
	p1 =	sgt.s32 s28, $0x7F;
	s21 =	ssub.s32 $0x80, s28  }
0x60: {  	v61 =	vld [tilespmem:s20+$0x10];
	[tilespmem:s22+$0x3870 ss:$0x81] =	vst.msk $0xffff, v0;
	s23 =	smul.u32 $0xE0, s23;
	s26 =	ssub.s32 $0xE0, s26;
	s21 =	simm.s32 @p1 $0x0  }
0x61: {  	v62 =	vld [tilespmem:s20+$0x20];
	[tilespmem:s22+$0x810 ss:$0x81] =	vst.msk $0xffff, v5;
	s26 =	simm.s32 @p2 $0x0;
	s30 =	sadd.s32 $0xFFFFFFA0, s27;
	s21 =	smul.u32 s21, s25  }
0x62: {  	v63 =	vld [tilespmem:s20+$0xFFFFFFC0];
	[tilespmem:s22+$0x1020 ss:$0x81] =	vst.msk $0xffff, v58;
	s20 =	ssub.s32 $0xE0, s27;
	s29 =	smul.u32 $0xE00, s7;
	p1 =	sgt.s32 s30, $0x7F  }
0x63: {  	[tilespmem:s22+$0x1830 ss:$0x81] =	vst.msk $0xffff, v59;
	s28 =	sshrl.u32 s10, $0x3;
	s20 =	simm.s32 @p1 $0x0;
	s21 =	smul.u32 s26, s21  }
.Ltmp4:
0x64: {  	[tilespmem:s22+$0x2040 ss:$0x81] =	vst.msk $0xffff, v60;
	s25 =	sadd.s32 s2, s31;
	s26 =	sand.u32 $0xF, s28;
	(pc) =	sbr.rel .LBB1_5-.Ltmp4, $4  }
0x65: {  	[tilespmem:s22+$0x2850 ss:$0x81] =	vst.msk $0xffff, v61;
	s23 =	ssub.s32 s24, s23;
	s30 =	sadd.s32 s26, s25;
	s20 =	smul.u32 s20, s21  }
0x66: {  	[tilespmem:s22+$0x3060 ss:$0x81] =	vst.msk $0xffff, v62;
	s23 =	sshll.u32 s23, $0x4;
	s21 =	sadd.s32 s29, s30  }
0x67: {  	[tilespmem:s22+$0x0 ss:$0x81] =	vst.msk $0xffff, v63;
	s31 =	sand.u32 $0x7, s10;
	s21 =	sadd.s32 s23, s21;
	s20 =	sand.u32 $0x3FFFFFFF, s20  }
0x68: {  	[hbm4b:s21+s31] =	stream.linear.scatter [tilespmem:s19], [sflag:$0x2], s20, $0x20;
	[tilespmem:$0x10100] =	vst v63  }
.LBB1_6:
0x69: {  	_ =	sfence.sel $0x180000  }
0x6a: {  	s2 =	simm.s32 $0x1;
	[bflag:$0x0] =	sbarrier.arrive $0xFFFF  }
0x6b: {  	s31 =	simm.s32 $0x2;
	[sflag:s2] =	ssyncpa.u1 $0x1  }
0x6c: {  	[sflag:s31] =	ssyncpa.u1 $0x1  }
0x6d: {  	p0 =	sne.s32 s1, $0x0;
	_ =	strace $0x9000004A  }
0x6e: {  	s0 =	sadd.s32 @!p0 $0x100000, s0;
	[bflag:$0x2] =	sbarrier.arrive $0xFFFF  }
0x6f: {  	[sflag:s0] =	ssyncadd.tile.s32 @!p0 $0x1;
	_ =	shalt  }
.Lfunc_end1:
_tile_overlayer_lowered:
.L_overlay_start_2:
0x70: {  	(tag) =	ssettag $0x2  }
0x71: {  	s0 =	rddreg [dreg:$0x0];
	s2 =	stileid.u32  }
0x72: {  	s1 =	rddreg [dreg:$0x1];
	p0 =	sne.s32 s2, $0x0  }
0x73: {  	s3 =	rddreg [dreg:$0x2];
	[bflag:$0x3] =	sbarrier.arrive $0xFFFF;
	s2 =	simm.s32 @!p0 $0x1C01  }
0x74: {  	[timem:s3], [sflag:s2] =	dma.local @!p0 [hbm:s0], s1  }
0x75: {  	s0 =	simm.s32 @!p0 $0x1  }
0x76: {  	_ =	swait.ge @!p0 [sflag:s0], s1  }
0x77: {  	s1 =	ssub.s32 @!p0 $0x0, s1;
	[sflag:s0] =	ssyncset.done @!p0 $0x0  }
0x78: {  	[sflag:s0] =	ssyncadd.s32 @!p0 s1  }
0x79: {  	[bflag:$0x3] =	sbarrier.arrive $0xFFFF  }
0x7a: {  	_ =	shalt  }

// kernel: sparse-core-data-format-call.cloned.1.call-start
scs
called_computation_lowered:
.L_overlay_start_0:
0x0: {  	s2 =	sld [smem:$0x3FD9]  }
0x1: {  	s3 =	sld [smem:$0x3FFE];
	_ =	sdelay $0x1  }
0x2: {  	s1 =	srdreg.scid  }
0x3: {  	s0 =	sand.u32 $0x1, s1  }
0x4: {  	s15 =	sshll.u32 s0, $0xA;
	s2 =	sadd.s32 s3, s2  }
0x5: {  	s2 =	sadd.s32 s2, s15  }
0x6: {  	[smem:$0x3FC4] =	sst s2  }
0x7: {  	_ = 	snop  }
0x8: {  	s2 =	sld [smem:$0x3FD0];
	_ =	sdelay $0x2  }
0x9: {  	s16 =	simm.s32 $0xB;
	s4 =	simm.s32 $0x10  }
0xa: {  	[smem:s4], [sflag:s16] =	dma.local [hbm:s2], $0x1  }
0xb: {  	_ =	swait.eq [sflag:s16], $0x1  }
0xc: {  	[sflag:s16] =	ssyncset.done $0x0  }
0xd: {  	[sflag:s16] =	ssyncadd.s32 $0xFFFFFFFF  }
0xe: {  	s17 =	sld [smem:$0x11];
	(tm) =	ssettm $0x1  }
0xf: {  	s18 =	sld [smem:$0x3FFB];
	_ =	sdelay $0x3  }
0x10: {  	_ =	strace s18  }
0x11: {  	s3 =	sld [smem:$0x3FFC];
	_ =	sdelay $0x3  }
0x12: {  	_ =	strace s3  }
0x13: {  	s3 =	sld [smem:$0x3FFD];
	_ =	sdelay $0x3  }
0x14: {  	_ =	strace s3  }
0x15: {  	_ =	strace $0x8FFFFFFF  }
0x16: {  	s19 =	sld [smem:$0x3FDB];
	_ =	sdelay $0x1  }
0x17: {  	s20 =	simm.s32 $_scs_section_size  }
0x18: {  	s5 =	simm.s32 $_size__tile_overlayer_lowered;
	s6 =	simm.s32 $_tile_overlayer_lowered  }
0x19: {  	s23 =	simm.s32 $0x1BFF;
	s22 =	sshll.u32 s6, $0x1;
	s3 =	sadd.s32 s20, s19  }
0x1a: {  	s7 =	simm.s32 $0x0;
	s21 =	sshll.u32 s5, $0x1;
	s5 =	sadd.s32 s22, s3  }
0x1b: {  	[timem:s7], [sflag:s23] =	dma.local [hbm:s5], s21  }
0x1c: {  	_ =	swait.ge [sflag:s23], s21  }
0x1d: {  	s4 =	ssub.s32 $0x0, s21;
	[sflag:s23] =	ssyncset.done $0x0  }
0x1e: {  	[sflag:s23] =	ssyncadd.s32 s4;
	_ =	sdelay $0x1  }
0x1f: {  	s24 =	simm.s32 $0x1B8B  }
0x20: {  	_ =	swait.ge [sflag:s24], $0x1  }
0x21: {  	[sflag:s24] =	ssyncset.done $0x0  }
0x22: {  	s26 =	simm.s32 $0x1B8E;
	s25 =	sld [smem:$0x3FFE];
	[sflag:s24] =	ssyncadd.s32 $0xFFFFFFFF  }
0x23: {  	s27 =	simm.s32 $execute0_lowered;
	[smem:$0x3FD2] =	sst s26  }
0x24: {  	s5 =	sshll.u32 s27, $0x1;
	_ =	strace $0x80000046;
	[dreg:$0x1] =	wrdreg $0xFFFFFFFF  }
0x25: {  	s28 =	simm.s32 $_size_execute0_lowered;
	s3 =	sadd.s32 s3, s5;
	[dreg:$0x0] =	wrdreg $0x0  }
0x26: {  	s5 =	sshll.u32 s28, $0x1;
	[dreg:$0x2] =	wrdreg s3  }
0x27: {  	[dreg:$0x3] =	wrdreg s5  }
0x28: {  	[dreg:$0x4] =	wrdreg $0xC0  }
0x29: {  	_ =	task [dreg:s7], $0x5FFFF  }
0x2a: {  	[dreg:$0x1] =	wrdreg $0xFFFFFFFF  }
0x2b: {  	[dreg:$0x0] =	wrdreg $0x60  }
0x2c: {  	[dreg:$0x2] =	wrdreg s25  }
0x2d: {  	[dreg:$0x3] =	wrdreg s17  }
0x2e: {  	[dreg:$0x4] =	wrdreg $0x9  }
0x2f: {  	_ =	task.clear_ibuf [dreg:s7], $0x5FFFF;
	_ =	strace $0x90000046  }
0x30: {  	s29 =	simm.s32 $0x9;
	_ =	strace $0x80000048  }
0x31: {  	_ =	swait.ge [sflag:s29], $0x1  }
0x32: {  	[sflag:s29] =	ssyncadd.s32 $0xFFFFFFFF  }
0x33: {  	_ =	strace $0x90000048  }
0x34: {  	_ =	sfence  }
0x35: {  	s30 =	sld [smem:$0x0];
	_ =	sdelay $0x2  }
0x36: {  	s31 =	sshll.u32 s1, $0xD;
	s1 =	sshrl.u32 s1, $0x2  }
0x37: {  	s3 =	sand.u32 $0x4000, s31;
	s1 =	sadd.s32 s1, s30  }
0x38: {  	s0 =	sor.u32 s3, s0;
	s1 =	sshll.u32 s1, $0x11  }
0x39: {  	s0 =	sor.u32 s1, s0  }
0x3a: {  	s0 =	sadd.s32 $0x8F2B, s0  }
0x3b: {  	[sflag:s0] =	ssyncadd.remote.s32 $0x1  }
0x3c: {  	_ =	sfence.sel $0xFFFF  }
0x3d: {  	[dreg:$0x0] =	wrdreg $0xFFFFFFFF;
	(pc) =	sbr.abs _section_cstart, $3  }
0x3e: {  	[dreg:$0x1] =	wrdreg $0xFFFFFFFF  }
0x3f: {  	_ =	task.clear_ibuf [dreg:s7], $0x2FFFF;
	_ =	strace $0x9FFFFFFF  }
0x40: {  	(tm) =	ssettm $0x7FFFFFFF  }
0x41: {  	_ =	shalt  }
tec
execute0_lowered:
.L_overlay_start_1:
0x0: {  	(tag) =	ssettag $0x1  }
0x1: {  	s1 =	rddreg [dreg:$0x0]  }
0x2: {  	s2 =	rddreg [dreg:$0x1]  }
0x3: {  	s0 =	rddreg [dreg:$0x2];
	_ =	strace $0x80000047;
	s4 =	srdreg.scid  }
0x4: {  	s6 =	simm.s32 $0x2;
	s15 =	simm.s32 $0x0;
	p0 =	por $0x0, $0x0  }
0x5: {  	s17 =	simm.s32 $0x0;
	s18 =	simm.s32 $0x0;
	s16 =	simm.s32 $0x0  }
0x6: {  	s7 =	simm.s32 $0x0;
	s9 =	simm.s32 $0x0;
	s10 =	simm.s32 $0x0  }
.Ltmp0:
0x7: {  	s11 =	simm.s32 $0x0;
	s13 =	simm.s32 $0x0;
	(pc) =	sbr.rel .LBB1_1-.Ltmp0, $4  }
0x8: {  	s14 =	simm.s32 $0x0;
	s3 =	sadd.s32 $0x2A1000, s1;
	s5 =	sshll.u32 s4, $0x4  }
0x9: {  	s1 =	stileid.u32;
	s4 =	simm.s32 $0x1;
	s5 =	sand.u32 $0x10, s5  }
0xa: {  	s8 =	simm.s32 $0x0;
	[sflag:s4] =	ssyncpa.u1 $0x0;
	s5 =	sor.u32 s1, s5  }
0xb: {  	[sflag:s6] =	ssyncpa.u1 $0x0;
	s6 =	simm.s32 $0x0;
	s12 =	smov.u32 s5  }
.LBB1_5:
0xc: {  	p1 =	slt.u32 s8, $0x2;
	s19 =	smov.u32 s18  }
0xd: {  	s22 =	smov.u32 s14;
	s8 =	sadd.s32 $0x1, s8;
	p2 =	sgt.s32 @!p1 s18, $0x2  }
0xe: {  	s20 =	sshra.s32 @!p1 s18, $0x1F;
	p3 =	sgt.s32 @!p1 s15, $0x60;
	p2 =	por !p2, p1  }
0xf: {  	s18 =	sand.u32 @!p1 s20, s18;
	s20 =	sshra.s32 @!p1 s17, $0x1F;
	s19 =	simm.s32 @p2 $0x2  }
0x10: {  	p3 =	por !p3, p1;
	p2 =	sgt.s32 @!p1 s17, $0xDF;
	s18 =	ssub.s32 @!p1 s19, s18  }
0x11: {  	p2 =	por !p2, p1;
	s19 =	smov.u32 s17;
	s17 =	sand.u32 @!p1 s20, s17  }
0x12: {  	s20 =	sadd.s32 @!p1 $0xFFFFFFFE, s18;
	s19 =	simm.s32 @p2 $0xDF;
	s18 =	ssub.s32 @!p1 $0x3, s18  }
0x13: {  	p2 =	sgt.s32 @!p1 s20, $0x0;
	s17 =	ssub.s32 @!p1 s19, s17;
	s20 =	smov.u32 s15  }
0x14: {  	p2 =	por !p2, p1;
	s19 =	sadd.s32 @!p1 $0xFFFFFF21, s17;
	s17 =	ssub.s32 @!p1 $0xE0, s17  }
0x15: {  	s18 =	simm.s32 @!p2 $0x0;
	p2 =	sgt.s32 @!p1 s19, $0x0;
	s19 =	sshra.s32 @!p1 s15, $0x1F  }
0x16: {  	s15 =	sand.u32 @!p1 s19, s15;
	s19 =	ssub.s32 @!p1 $0x0, s16;
	p2 =	por !p2, p1  }
0x17: {  	s20 =	simm.s32 @p3 $0x60;
	s16 =	smin.u32 @!p1 s16, s19;
	s17 =	simm.s32 @!p2 $0x0  }
0x18: {  	s15 =	ssub.s32 @!p1 s20, s15;
	s20 =	smov.u32 s12;
	p2 =	sgt.s32 @!p1 s16, $0x7F  }
0x19: {  	s19 =	sadd.s32 @!p1 $0xFFFFFFA0, s15;
	s16 =	ssub.s32 @!p1 $0x80, s16;
	p2 =	por !p2, p1  }
0x1a: {  	p3 =	sgt.s32 @!p1 s19, $0x7F;
	s19 =	sadd.s32 $0x80, s11;
	s16 =	simm.s32 @!p2 $0x0  }
0x1b: {  	p2 =	sgt.s32 s19, $0xDF;
	s16 =	smul.u32 @!p1 s16, s18;
	s18 =	sadd.s32 $0x20, s12  }
0x1c: {  	p0 =	por !p0, !p0;
	s23 =	simm.s32 @!p1 $0x2;
	s20 =	smov.u32 @p2 s18  }
0x1d: {  	s16 =	smul.u32 @!p1 s17, s16;
	p4 =	sgt.s32 s20, $0xDF;
	s17 =	simm.s32 $0x1  }
0x1e: {  	s15 =	ssub.s32 @!p1 $0xE0, s15;
	p3 =	por !p3, p1;
	s17 =	simm.s32 @!p4 $0x0  }
0x1f: {  	s15 =	simm.s32 @!p3 $0x0;
	s19 =	simm.s32 @p2 $0x0;
	s21 =	sadd.s32 s17, s13  }
0x20: {  	s15 =	smul.u32 @!p1 s15, s16;
	s16 =	sadd.s32 $0x80, s14;
	p2 =	sgt.s32 s21, $0x2  }
0x21: {  	s18 =	smov.u32 s9;
	s9 =	smov.u32 s13;
	s22 =	smov.u32 @p2 s16  }
0x22: {  	s20 =	smov.u32 @p4 s5;
	s21 =	simm.s32 @p2 $0x0;
	p2 =	sgt.s32 s22, $0x7F  }
0x23: {  	s17 =	smov.u32 s7;
	s22 =	simm.s32 @p2 $0x0;
	p2 =	sne.s32 s8, $0x2C  }
.Ltmp1:
0x24: {  	s7 =	smov.u32 s12;
	s12 =	smov.u32 s20;
	(pc) =	sbr.rel @!p2 .LBB1_6-.Ltmp1, $4  }
0x25: {  	s15 =	sand.u32 @!p1 $0x3FFFFFFF, s15;
	s16 =	smov.u32 s10;
	s10 =	smov.u32 s14  }
0x26: {  	_ =	swait.ge @!p1 [sflag:s23], s15;
	s24 =	ssub.s32 @!p1 $0x0, s15;
	s15 =	smov.u32 s6  }
0x27: {  	s6 =	smov.u32 s11;
	s11 =	smov.u32 s19;
	[sflag:s23] =	ssyncset.done @!p1 $0x0  }
0x28: {  	s13 =	smov.u32 s21;
	[sflag:s23] =	ssyncadd.s32 @!p1 s24;
	s14 =	smov.u32 s22  }
.LBB1_1:
0x29: {  	p1 =	sgt.u32 s8, $0x29  }
0x2a: {  	s19 =	sshll.u32 @!p1 s12, $0x8;
	s20 =	sshll.u32 @!p1 s11, $0x3  }
0x2b: {  	s21 =	sshll.u32 @!p1 s12, $0x7;
	s19 =	sand.u32 @!p1 $0xFFFFF800, s19;
	s20 =	sand.u32 @!p1 $0xFFFFFC00, s20  }
0x2c: {  	s19 =	sadd.s32 @!p1 s19, s20;
	s20 =	sand.u32 @!p1 $0x300, s21  }
0x2d: {  	s19 =	sor.u32 @!p1 s20, s19  }
0x2e: {  	s19 =	sshrl.u32 @!p1 s19, $0x8  }
0x2f: {  	s20 =	smulhi.u32 @!p1 $0x124924A, s19  }
0x30: {  	s22 =	sxor.u32 @!p1 $0xFFFFFFFF, s8;
	s24 =	smul.u32 @!p1 $0x5400, s14  }
0x31: {  	s23 =	sand.u32 @!p1 $0x78, s11;
	s21 =	sand.u32 @!p1 $0x80, s21;
	s20 =	smul.u32 @!p1 $0xE0, s20  }
0x32: {  	s22 =	sshll.u32 @!p1 s22, $0xE;
	s21 =	sor.u32 @!p1 s23, s21;
	s23 =	smul.u32 @!p1 $0x1C00, s13  }
0x33: {  	s19 =	ssub.s32 @!p1 s19, s20;
	s20 =	sand.u32 @!p1 $0x4000, s22;
	s22 =	sadd.s32 @!p1 s3, s24  }
0x34: {  	s21 =	sshrl.u32 @!p1 s21, $0x3;
	s22 =	sadd.s32 @!p1 s23, s22;
	s23 =	sand.u32 @!p1 $0x7, s11  }
0x35: {  	s19 =	sshll.u32 @!p1 s19, $0x5;
	s21 =	sadd.s32 @!p1 s21, s22;
	s22 =	sshll.u32 @!p1 s23, $0x12  }
0x36: {  	s19 =	sadd.s32 @!p1 s19, s21;
	s21 =	sor.u32 @!p1 $0x80, s22;
	s22 =	simm.s32 @!p1 $0x2A000  }
0x37: {  	[tilespmem:s20], [sflag:$0x1] =	stream.strided.gather @!p1 [hbm4b:s19+s21], $0x4000, s22, s21, $0x38;
	[tilespmem:$0x10100] =	vst v63  }
0x38: {  	p1 =	seq.s32 s8, $0x0  }
0x39: {  	p2 =	seq.s32 @!p1 s8, $0x2B  }
0x3a: {  	p1 =	por p1, p2  }
.Ltmp2:
0x3b: {  	_ = 	snop;
	(pc) =	sbr.rel @p1 .LBB1_5-.Ltmp2, $1  }
0x3c: {  	_ =	sdelay $0x3  }
0x3d: {  	s19 =	simm.s32 $0x1  }
0x3e: {  	_ =	swait.ge [sflag:s4], $0x4000;
	s19 =	simm.s32 @!p0 $0x0  }
0x3f: {  	[sflag:s4] =	ssyncset.done $0x0;
	s20 =	sshll.u32 s19, $0xE  }
0x40: {  	[sflag:s4] =	ssyncadd.s32 $0xFFFFC000;
	s20 =	sor.u32 $0x40, s20  }
0x41: {  	s19 =	smul.u32 $0x10200, s19;
	v0 =	vld [tilespmem:s20+$0x30]  }
0x42: {  	v1 =	vld [tilespmem:s20+$0xFFFFFFD0]  }
0x43: {  	s19 =	sshrl.u32 s19, $0x2;
	v5 =	vld [tilespmem:s20+$0xFFFFFFE0]  }
0x44: {  	v6 =	vld [tilespmem:s20+$0xFFFFFFF0];
	s22 =	sor.u32 $0x8000, s19  }
0x45: {  	s31 =	sand.u32 $0x1, s8;
	v4 =	vld [tilespmem:s20+$0x0];
	s21 =	sadd.s32 $0x0, s22  }
0x46: {  	v3 =	vld [tilespmem:s20+$0x10];
	s19 =	smul.u32 $0x10200, s31;
	[tilespmem:s21+$0x3870 ss:$0x81] =	vst.msk $0xffff, v0  }
0x47: {  	v2 =	vld [tilespmem:s20+$0x20];
	[tilespmem:s21+$0x810 ss:$0x81] =	vst.msk $0xffff, v1  }
0x48: {  	s19 =	sshrl.u32 s19, $0x2;
	v1 =	vld [tilespmem:s20+$0xFFFFFFC0];
	[tilespmem:s21+$0x1020 ss:$0x81] =	vst.msk $0xffff, v5;
	s20 =	sadd.s32 $0x80, s20  }
0x49: {  	s23 =	simm.s32 $0x4;
	s24 =	simm.s32 $0x8;
	s19 =	sor.u32 $0x8000, s19;
	[tilespmem:s21+$0x1830 ss:$0x81] =	vst.msk $0xffff, v6;
	v0 =	vld [tilespmem:s20+$0x30]  }
.LBB1_3:
0x4a: {  	p1 =	sne.s32 s24, $0x1FC;
	v5 =	vld [tilespmem:s20+$0xFFFFFFD0];
	[tilespmem:s21+$0x2040 ss:$0x81] =	vst.msk $0xffff, v4  }
0x4b: {  	v6 =	vld [tilespmem:s20+$0xFFFFFFE0];
	[tilespmem:s21+$0x2850 ss:$0x81] =	vst.msk $0xffff, v3  }
0x4c: {  	s25 =	sshra.s32 s23, $0x2;
	s23 =	smov.u32 s24;
	v7 =	vld [tilespmem:s20+$0xFFFFFFF0];
	[tilespmem:s21+$0x3060 ss:$0x81] =	vst.msk $0xffff, v2  }
.Ltmp3:
0x4d: {  	v4 =	vld [tilespmem:s20+$0x0];
	[tilespmem:s21+$0x0 ss:$0x81] =	vst.msk $0xffff, v1;
	s21 =	sadd.s32 s25, s22;
	(pc) =	sbr.rel @p1 .LBB1_3-.Ltmp3, $4  }
0x4e: {  	v3 =	vld [tilespmem:s20+$0x10];
	[tilespmem:s21+$0x3870 ss:$0x81] =	vst.msk $0xffff, v0  }
0x4f: {  	[tilespmem:s21+$0x810 ss:$0x81] =	vst.msk $0xffff, v5;
	v2 =	vld [tilespmem:s20+$0x20]  }
0x50: {  	v1 =	vld [tilespmem:s20+$0xFFFFFFC0];
	[tilespmem:s21+$0x1020 ss:$0x81] =	vst.msk $0xffff, v6;
	s20 =	sadd.s32 $0x80, s20  }
0x51: {  	s24 =	sadd.s32 $0x4, s24;
	v0 =	vld [tilespmem:s20+$0x30];
	[tilespmem:s21+$0x1830 ss:$0x81] =	vst.msk $0xffff, v7  }
0x52: {  	s24 =	sshll.u32 s6, $0x7;
	s25 =	sshll.u32 s10, $0x3  }
0x53: {  	s23 =	sshra.s32 s23, $0x2;
	p1 =	sgt.s32 s9, $0x2;
	s29 =	sshra.s32 s9, $0x1F  }
0x54: {  	p2 =	sgt.s32 s7, $0xDF;
	s27 =	smov.u32 s7;
	s28 =	sshra.s32 s7, $0x1F  }
0x55: {  	s31 =	sshra.s32 s6, $0x1F;
	s26 =	sand.u32 $0xFFFFFC00, s24;
	s25 =	sand.u32 $0xFFFFFC00, s25  }
0x56: {  	s24 =	sand.u32 $0x380, s24;
	s22 =	sadd.s32 s23, s22;
	s25 =	sadd.s32 s25, s26  }
0x57: {  	s27 =	simm.s32 @!p2 $0xDF;
	s24 =	sor.u32 s24, s25;
	s25 =	smov.u32 s9  }
0x58: {  	s30 =	sand.u32 s28, s7;
	s26 =	sand.u32 s29, s9;
	s25 =	simm.s32 @!p1 $0x2  }
0x59: {  	p2 =	sgt.s32 s6, $0x60;
	s28 =	sand.u32 s31, s6;
	s25 =	ssub.s32 s25, s26  }
0x5a: {  	s31 =	smul.u32 $0xC4000, s9;
	s24 =	sshrl.u32 s24, $0x7;
	s26 =	sadd.s32 $0xFFFFFFFE, s25  }
0x5b: {  	s23 =	smulhi.u32 $0x2492493, s24;
	p1 =	sgt.s32 s26, $0x0;
	s26 =	ssub.s32 s27, s30  }
0x5c: {  	v5 =	vld [tilespmem:s20+$0xFFFFFFD0];
	[tilespmem:s21+$0x2040 ss:$0x81] =	vst.msk $0xffff, v4;
	s25 =	ssub.s32 $0x3, s25;
	s27 =	smov.u32 s6;
	s29 =	sadd.s32 $0xFFFFFF21, s26  }
0x5d: {  	v58 =	vld [tilespmem:s20+$0xFFFFFFE0];
	[tilespmem:s21+$0x2850 ss:$0x81] =	vst.msk $0xffff, v3;
	s27 =	simm.s32 @!p2 $0x60;
	p2 =	sgt.s32 s29, $0x0;
	s29 =	ssub.s32 $0x0, s10  }
0x5e: {  	v59 =	vld [tilespmem:s20+$0xFFFFFFF0];
	[tilespmem:s21+$0x3060 ss:$0x81] =	vst.msk $0xffff, v2;
	s23 =	sshrl.u32 s23, $0x1;
	s27 =	ssub.s32 s27, s28;
	s28 =	smin.u32 s10, s29  }
0x5f: {  	v60 =	vld [tilespmem:s20+$0x0];
	[tilespmem:s21+$0x0 ss:$0x81] =	vst.msk $0xffff, v1;
	s25 =	simm.s32 @p1 $0x0;
	p1 =	sgt.s32 s28, $0x7F;
	s21 =	ssub.s32 $0x80, s28  }
0x60: {  	v61 =	vld [tilespmem:s20+$0x10];
	[tilespmem:s22+$0x3870 ss:$0x81] =	vst.msk $0xffff, v0;
	s23 =	smul.u32 $0xE0, s23;
	s26 =	ssub.s32 $0xE0, s26;
	s21 =	simm.s32 @p1 $0x0  }
0x61: {  	v62 =	vld [tilespmem:s20+$0x20];
	[tilespmem:s22+$0x810 ss:$0x81] =	vst.msk $0xffff, v5;
	s26 =	simm.s32 @p2 $0x0;
	s30 =	sadd.s32 $0xFFFFFFA0, s27;
	s21 =	smul.u32 s21, s25  }
0x62: {  	v63 =	vld [tilespmem:s20+$0xFFFFFFC0];
	[tilespmem:s22+$0x1020 ss:$0x81] =	vst.msk $0xffff, v58;
	s20 =	ssub.s32 $0xE0, s27;
	s29 =	smul.u32 $0xE00, s7;
	p1 =	sgt.s32 s30, $0x7F  }
0x63: {  	[tilespmem:s22+$0x1830 ss:$0x81] =	vst.msk $0xffff, v59;
	s28 =	sshrl.u32 s10, $0x3;
	s20 =	simm.s32 @p1 $0x0;
	s21 =	smul.u32 s26, s21  }
.Ltmp4:
0x64: {  	[tilespmem:s22+$0x2040 ss:$0x81] =	vst.msk $0xffff, v60;
	s25 =	sadd.s32 s2, s31;
	s26 =	sand.u32 $0xF, s28;
	(pc) =	sbr.rel .LBB1_5-.Ltmp4, $4  }
0x65: {  	[tilespmem:s22+$0x2850 ss:$0x81] =	vst.msk $0xffff, v61;
	s23 =	ssub.s32 s24, s23;
	s30 =	sadd.s32 s26, s25;
	s20 =	smul.u32 s20, s21  }
0x66: {  	[tilespmem:s22+$0x3060 ss:$0x81] =	vst.msk $0xffff, v62;
	s23 =	sshll.u32 s23, $0x4;
	s21 =	sadd.s32 s29, s30  }
0x67: {  	[tilespmem:s22+$0x0 ss:$0x81] =	vst.msk $0xffff, v63;
	s31 =	sand.u32 $0x7, s10;
	s21 =	sadd.s32 s23, s21;
	s20 =	sand.u32 $0x3FFFFFFF, s20  }
0x68: {  	[hbm4b:s21+s31] =	stream.linear.scatter [tilespmem:s19], [sflag:$0x2], s20, $0x20;
	[tilespmem:$0x10100] =	vst v63  }
.LBB1_6:
0x69: {  	_ =	sfence.sel $0x180000  }
0x6a: {  	s2 =	simm.s32 $0x1;
	[bflag:$0x0] =	sbarrier.arrive $0xFFFF  }
0x6b: {  	s31 =	simm.s32 $0x2;
	[sflag:s2] =	ssyncpa.u1 $0x1  }
0x6c: {  	[sflag:s31] =	ssyncpa.u1 $0x1  }
0x6d: {  	p0 =	sne.s32 s1, $0x0;
	_ =	strace $0x90000047  }
0x6e: {  	s0 =	sadd.s32 @!p0 $0x100000, s0;
	[bflag:$0x2] =	sbarrier.arrive $0xFFFF  }
0x6f: {  	[sflag:s0] =	ssyncadd.tile.s32 @!p0 $0x1;
	_ =	shalt  }
.Lfunc_end1:
_tile_overlayer_lowered:
.L_overlay_start_2:
0x70: {  	(tag) =	ssettag $0x2  }
0x71: {  	s0 =	rddreg [dreg:$0x0];
	s2 =	stileid.u32  }
0x72: {  	s1 =	rddreg [dreg:$0x1];
	p0 =	sne.s32 s2, $0x0  }
0x73: {  	s3 =	rddreg [dreg:$0x2];
	[bflag:$0x3] =	sbarrier.arrive $0xFFFF;
	s2 =	simm.s32 @!p0 $0x1C01  }
0x74: {  	[timem:s3], [sflag:s2] =	dma.local @!p0 [hbm:s0], s1  }
0x75: {  	s0 =	simm.s32 @!p0 $0x1  }
0x76: {  	_ =	swait.ge @!p0 [sflag:s0], s1  }
0x77: {  	s1 =	ssub.s32 @!p0 $0x0, s1;
	[sflag:s0] =	ssyncset.done @!p0 $0x0  }
0x78: {  	[sflag:s0] =	ssyncadd.s32 @!p0 s1  }
0x79: {  	[bflag:$0x3] =	sbarrier.arrive $0xFFFF  }
0x7a: {  	_ =	shalt  }

</sc_bundles>
